<compile_context>
chip_gen: v7x
topology: tpu7x:2x2x1
jax: 0.10.2.dev20260603
libtpu: 0.0.44.dev20260713+nightly
codegen_flags: <defaults>
</compile_context>

<pallas_src>
import functools

import jax
import jax.numpy as jnp
from jax import lax
from jax.experimental import pallas as pl
from jax.experimental.pallas import tpu as pltpu
from jax.experimental.pallas import tpu_sc as plsc

TOPK = 5
NCAND = 7
SLOT = 16
NEG_PAD = -4.0
BIG_I32 = 2**30


def _pack_f(v, tag_f):
    return jnp.floor((v + 4.0) * 8192.0) * 128.0 + tag_f


def _packed_top_t(pf, n):
    tags = []
    for _ in range(n):
        m = jnp.max(pf, axis=0, keepdims=True)
        tags.append(m - jnp.floor(m * (1.0 / 128.0)) * 128.0)
        pf = jnp.where(pf == m, -1.0, pf)
    return jnp.transpose(jnp.concatenate(tags, axis=0)).astype(jnp.int32)


def _sub_topk(qn, kb, col0, nsl):
    dn = (((1,), (1,)), ((), ()))

    def slice_t(s):
        return lax.dot_general(kb[s * 128:(s + 1) * 128, :], qn, dn,
                               preferred_element_type=jnp.float32)

    def slice_l(s):
        return lax.dot_general(qn, kb[s * 128:(s + 1) * 128, :], dn,
                               preferred_element_type=jnp.float32)

    fv = slice_t(0)
    for s in range(1, nsl):
        fv = jnp.maximum(fv, slice_t(s))
    rowf = lax.broadcasted_iota(jnp.int32, (128, 1), 0).astype(jnp.float32)
    celll = _packed_top_t(_pack_f(fv, rowf), NCAND)
    cand = jnp.concatenate(
        [jnp.take_along_axis(slice_l(s), celll, axis=1)
         for s in range(nsl)], axis=1)
    posf = lax.broadcasted_iota(
        jnp.int32, (1, nsl * NCAND), 1).astype(jnp.float32)
    pos = _packed_top_t(jnp.transpose(_pack_f(cand, posf)), NCAND)
    s_of = (pos * 9363) >> 16
    vals8 = jnp.take_along_axis(cand, pos, axis=1)
    lane8 = jnp.take_along_axis(celll, pos - s_of * NCAND, axis=1)
    gidx8 = col0 + s_of * 128 + lane8
    return vals8, gidx8


def _tc_block_body(ktot, blk, sub, nblk,
                   qn_ref, k_ref, ov_ref, oi_ref, sv_ref, si_ref):
    j = pl.program_id(0)
    kb = k_ref[...]
    rowi = lax.broadcasted_iota(jnp.int32, (blk, 1), 0)
    kb = jnp.where(rowi + j * blk < ktot, kb, 0.0)
    qn = qn_ref[...]
    nsl = sub // 128
    v0, i0 = _sub_topk(qn, kb[0:sub, :], j * blk, nsl)
    v1, i1 = _sub_topk(qn, kb[sub:blk, :], j * blk + sub, nsl)
    q = v0.shape[0]
    padv = jnp.full((q, SLOT - 2 * NCAND), NEG_PAD, jnp.float32)
    padi = jnp.full((q, SLOT - 2 * NCAND), ktot, jnp.int32)
    sv_ref[pl.ds(j * SLOT, SLOT), :] = jnp.transpose(
        jnp.concatenate([v0, v1, padv], axis=1))
    si_ref[pl.ds(j * SLOT, SLOT), :] = jnp.transpose(
        jnp.concatenate([i0, i1, padi], axis=1))

    @pl.when(j == nblk - 1)
    def _merge():
        mi = si_ref[...]
        mv = jnp.where(mi < ktot, sv_ref[...], NEG_PAD)
        out_v, out_i = [], []
        for _ in range(TOPK):
            m = jnp.max(mv, axis=0, keepdims=True)
            candi = jnp.where(mv == m, mi, BIG_I32)
            win = jnp.min(candi, axis=0, keepdims=True)
            out_v.append(m)
            out_i.append(win)
            mv = jnp.where(mi == win, NEG_PAD - 1.0, mv)
        ov_ref[...] = jnp.transpose(jnp.concatenate(out_v, axis=0))
        oi_ref[...] = jnp.transpose(jnp.concatenate(out_i, axis=0))


def _tc_topk(qn, kn, ktot, blk):
    q, d = qn.shape
    nblk = -(-ktot // blk)
    sub = blk // 2
    ncand_all = SLOT * nblk
    return pl.pallas_call(
        functools.partial(_tc_block_body, ktot, blk, sub, nblk),
        grid=(nblk,),
        in_specs=[
            pl.BlockSpec((q, d), lambda j: (0, 0)),
            pl.BlockSpec((blk, d), lambda j: (j, 0)),
        ],
        out_specs=[
            pl.BlockSpec((q, TOPK), lambda j: (0, 0)),
            pl.BlockSpec((q, TOPK), lambda j: (0, 0)),
        ],
        out_shape=[
            jax.ShapeDtypeStruct((q, TOPK), jnp.float32),
            jax.ShapeDtypeStruct((q, TOPK), jnp.int32),
        ],
        scratch_shapes=[
            pltpu.VMEM((ncand_all, q), jnp.float32),
            pltpu.VMEM((ncand_all, q), jnp.int32),
        ],
    )(qn, kn)


def _sc_gather(table, idx_flat):
    b = idx_flat.shape[0]
    d = table.shape[1]
    info = plsc.get_sparse_core_info()
    nw = info.num_cores * info.num_subcores
    bpw = b // nw
    nch = -(-bpw // 128)
    ch = bpw // nch
    assert ch * nch == bpw and ch % 8 == 0

    mesh = plsc.VectorSubcoreMesh(core_axis_name="c", subcore_axis_name="s")

    @functools.partial(
        pl.kernel, mesh=mesh,
        out_type=jax.ShapeDtypeStruct((b, d), jnp.float32),
        scratch_types=[
            pltpu.VMEM((bpw,), jnp.int32),
            pltpu.VMEM((bpw, d), jnp.float32),
            pltpu.SemaphoreType.DMA,
        ],
    )
    def gather_kernel(table_hbm, idx_hbm, out_hbm, idx_v, rows_v, sem):
        wid = lax.axis_index("s") * info.num_cores + lax.axis_index("c")
        base = wid * bpw
        pltpu.sync_copy(idx_hbm.at[pl.ds(base, bpw)], idx_v)
        for c in range(nch):
            pltpu.async_copy(
                table_hbm.at[idx_v.at[pl.ds(c * ch, ch)]],
                rows_v.at[pl.ds(c * ch, ch)], sem).wait()
        pltpu.sync_copy(rows_v, out_hbm.at[pl.ds(base, bpw)])

    return gather_kernel(table, idx_flat)


def kernel(queries, keys, k):
    del k
    q, d = queries.shape
    ktot = keys.shape[0]
    blk = 4608

    q_norm = jnp.clip(jnp.linalg.norm(queries, axis=-1, keepdims=True), 1e-12)
    k_norm = jnp.clip(jnp.linalg.norm(keys, axis=-1, keepdims=True), 1e-12)
    qn = queries / q_norm
    kn = keys / k_norm

    topk_vals, topk_idx = _tc_topk(qn, kn, ktot, blk)
    retrieved = _sc_gather(keys, topk_idx.reshape(q * TOPK))
    return topk_vals, topk_idx, retrieved.reshape(q, TOPK, d)

# --- scband reference (transcript-rebuilt; emitter-appended) ---
"""Pipeline reference for scband-langcad-14164802142514 (READ-ONLY COPY).

The authoritative reference and input builder live on the scoring server;
editing this copy changes nothing except your own understanding.
"""

import jax, jax.numpy as jnp
import numpy as np


def setup_inputs(seed: int = 0) -> dict:
    key = jax.random.key(seed)
    k1, k2 = jax.random.split(key)
    queries = jax.random.normal(k1, (1024, 128), dtype=jnp.float32)
    keys = jax.random.normal(k2, (100000, 128), dtype=jnp.float32)
    return {"queries": queries, "keys": keys, "k": 5}


def reference(queries, keys, k):
    # Cosine-similarity retrieval + top-k, mirroring POOL.retrieve_prompts /
    # NearestNeighbourScorer in LANGCAD: sklearn cosine_similarity followed by
    # argsort-based top-k selection over the stored key bank.
    q_norm = jnp.clip(jnp.linalg.norm(queries, axis=-1, keepdims=True), 1e-12)
    k_norm = jnp.clip(jnp.linalg.norm(keys, axis=-1, keepdims=True), 1e-12)
    qn = queries / q_norm
    kn = keys / k_norm
    sims = qn @ kn.T  # [Q, K] cosine similarities
    static_k = 5
    sims = sims + jnp.zeros((), dtype=sims.dtype) * jnp.asarray(k, dtype=sims.dtype)
    topk_vals, topk_idx = jax.lax.top_k(sims, static_k)
    # gather the retrieved key vectors (the 'prompts_parms' selection)
    retrieved = jnp.take(keys, topk_idx, axis=0)  # [Q, k, d]
    return topk_vals, topk_idx, retrieved

if __name__ == "__main__":
    import jax
    _d = setup_inputs()
    print(jax.jit(kernel)(*tuple(_d.values())))

</pallas_src>

<mosaic_0001>
#map = affine_map<(d0, d1) -> (0, 0)>
#map1 = affine_map<(d0, d1) -> (0)>
module attributes {stable_mosaic.version = 14 : i64} {
  func.func @gather_kernel(%arg0: i32, %arg1: i32, %arg2: memref<100000x128xf32, #tpu.memory_space<hbm>>, %arg3: memref<5120xi32, #tpu.memory_space<hbm>>, %arg4: memref<5120x128xf32, #tpu.memory_space<hbm>>, %arg5: memref<160xi32, #tpu.memory_space<vmem>>, %arg6: memref<160x128xf32, #tpu.memory_space<vmem>>, %arg7: memref<!tpu.dma_semaphore, #tpu.memory_space<semaphore_mem>>) attributes {dimension_semantics = [#tpu.dimension_semantics<core_parallel>, #tpu.dimension_semantics<subcore_parallel>], iteration_bounds = array<i64: 2, 16>, scalar_prefetch = 0 : i64, scratch_operands = 3 : i64, tpu.core_type = #tpu.core_type<sc_vector_subcore>, window_params = [{transform_indices = #map}, {transform_indices = #map1}, {transform_indices = #map}]} {
    %mul3A = arith.constant 2 : i32
    %mul3A_0 = arith.muli %arg1, %mul3A : i32
    %add3A = arith.addi %mul3A_0, %arg0 : i32
    %mul3A_1 = arith.constant 160 : i32
    %mul3A_2 = arith.muli %add3A, %mul3A_1 : i32
    "tpu.region"() ({
      %run_scoped3A = tpu.sem_alloc : memref<!tpu.dma_semaphore, #tpu.memory_space<semaphore_mem>>
      %dma_start3A_33 = tpu.memref_slice %arg3[%mul3A_2] : memref<5120xi32, #tpu.memory_space<hbm>> -> memref<160xi32, #tpu.memory_space<hbm>>
      %dma_start3A_34 = tpu.memref_slice %arg3[%mul3A_2] : memref<5120xi32, #tpu.memory_space<hbm>> -> memref<160xi32, #tpu.memory_space<hbm>>
      tpu.enqueue_dma source(%dma_start3A_34 : memref<160xi32, #tpu.memory_space<hbm>>) target(%arg5 : memref<160xi32, #tpu.memory_space<vmem>>) target_semaphore(%run_scoped3A : memref<!tpu.dma_semaphore, #tpu.memory_space<semaphore_mem>>)
      %dma_wait3A_35 = tpu.memref_slice %arg3[%mul3A_2] : memref<5120xi32, #tpu.memory_space<hbm>> -> memref<160xi32, #tpu.memory_space<hbm>>
      %dma_wait3A_36 = tpu.memref_slice %arg3[%mul3A_2] : memref<5120xi32, #tpu.memory_space<hbm>> -> memref<160xi32, #tpu.memory_space<hbm>>
      tpu.wait_dma2 semaphore(%run_scoped3A : memref<!tpu.dma_semaphore, #tpu.memory_space<semaphore_mem>>) src(%dma_wait3A_36 : memref<160xi32, #tpu.memory_space<hbm>>) dst(%arg5 : memref<160xi32, #tpu.memory_space<vmem>>)
      tpu.yield
    }) : () -> ()
    %dma_start3A = arith.constant 0 : i32
    %dma_start3A_3 = arith.constant 0 : i32
    %dma_start3A_4 = tpu.memref_slice %arg6[%dma_start3A, %dma_start3A_3] : memref<160x128xf32, #tpu.memory_space<vmem>> -> memref<80x128xf32, #tpu.memory_space<vmem>>
    %dma_start3A_5 = arith.constant 0 : i32
    %dma_start3A_6 = tpu.memref_slice %arg5[%dma_start3A_5] : memref<160xi32, #tpu.memory_space<vmem>> -> memref<80xi32, #tpu.memory_space<vmem>>
    %dma_start3A_7 = arith.constant 0 : i32
    %dma_start3A_8 = arith.constant 0 : i32
    %dma_start3A_9 = tpu.memref_slice %arg2[%dma_start3A_7, %dma_start3A_8] : memref<100000x128xf32, #tpu.memory_space<hbm>> -> memref<100000x128xf32, #tpu.memory_space<hbm>>
    tpu.enqueue_indirect_dma source(%dma_start3A_9 : memref<100000x128xf32, #tpu.memory_space<hbm>>) target(%dma_start3A_4 : memref<80x128xf32, #tpu.memory_space<vmem>>) offsets(%dma_start3A_6 : memref<80xi32, #tpu.memory_space<vmem>>) semaphore(%arg7 : memref<!tpu.dma_semaphore, #tpu.memory_space<semaphore_mem>>)
    %dma_wait3A = arith.constant 0 : i32
    %dma_wait3A_10 = arith.constant 0 : i32
    %dma_wait3A_11 = tpu.memref_slice %arg6[%dma_wait3A, %dma_wait3A_10] : memref<160x128xf32, #tpu.memory_space<vmem>> -> memref<80x128xf32, #tpu.memory_space<vmem>>
    %dma_wait3A_12 = arith.constant 0 : i32
    %dma_wait3A_13 = tpu.memref_slice %arg5[%dma_wait3A_12] : memref<160xi32, #tpu.memory_space<vmem>> -> memref<80xi32, #tpu.memory_space<vmem>>
    %dma_wait3A_14 = arith.constant 0 : i32
    %dma_wait3A_15 = arith.constant 0 : i32
    %dma_wait3A_16 = tpu.memref_slice %arg2[%dma_wait3A_14, %dma_wait3A_15] : memref<100000x128xf32, #tpu.memory_space<hbm>> -> memref<100000x128xf32, #tpu.memory_space<hbm>>
    tpu.wait_indirect_dma semaphore(%arg7 : memref<!tpu.dma_semaphore, #tpu.memory_space<semaphore_mem>>) src(%dma_wait3A_16 : memref<100000x128xf32, #tpu.memory_space<hbm>>) dst(%dma_wait3A_11 : memref<80x128xf32, #tpu.memory_space<vmem>>)
    %dma_start3A_17 = arith.constant 80 : i32
    %dma_start3A_18 = arith.constant 0 : i32
    %dma_start3A_19 = tpu.memref_slice %arg6[%dma_start3A_17, %dma_start3A_18] : memref<160x128xf32, #tpu.memory_space<vmem>> -> memref<80x128xf32, #tpu.memory_space<vmem>>
    %dma_start3A_20 = arith.constant 80 : i32
    %dma_start3A_21 = tpu.memref_slice %arg5[%dma_start3A_20] : memref<160xi32, #tpu.memory_space<vmem>> -> memref<80xi32, #tpu.memory_space<vmem>>
    %dma_start3A_22 = arith.constant 0 : i32
    %dma_start3A_23 = arith.constant 0 : i32
    %dma_start3A_24 = tpu.memref_slice %arg2[%dma_start3A_22, %dma_start3A_23] : memref<100000x128xf32, #tpu.memory_space<hbm>> -> memref<100000x128xf32, #tpu.memory_space<hbm>>
    tpu.enqueue_indirect_dma source(%dma_start3A_24 : memref<100000x128xf32, #tpu.memory_space<hbm>>) target(%dma_start3A_19 : memref<80x128xf32, #tpu.memory_space<vmem>>) offsets(%dma_start3A_21 : memref<80xi32, #tpu.memory_space<vmem>>) semaphore(%arg7 : memref<!tpu.dma_semaphore, #tpu.memory_space<semaphore_mem>>)
    %dma_wait3A_25 = arith.constant 80 : i32
    %dma_wait3A_26 = arith.constant 0 : i32
    %dma_wait3A_27 = tpu.memref_slice %arg6[%dma_wait3A_25, %dma_wait3A_26] : memref<160x128xf32, #tpu.memory_space<vmem>> -> memref<80x128xf32, #tpu.memory_space<vmem>>
    %dma_wait3A_28 = arith.constant 80 : i32
    %dma_wait3A_29 = tpu.memref_slice %arg5[%dma_wait3A_28] : memref<160xi32, #tpu.memory_space<vmem>> -> memref<80xi32, #tpu.memory_space<vmem>>
    %dma_wait3A_30 = arith.constant 0 : i32
    %dma_wait3A_31 = arith.constant 0 : i32
    %dma_wait3A_32 = tpu.memref_slice %arg2[%dma_wait3A_30, %dma_wait3A_31] : memref<100000x128xf32, #tpu.memory_space<hbm>> -> memref<100000x128xf32, #tpu.memory_space<hbm>>
    tpu.wait_indirect_dma semaphore(%arg7 : memref<!tpu.dma_semaphore, #tpu.memory_space<semaphore_mem>>) src(%dma_wait3A_32 : memref<100000x128xf32, #tpu.memory_space<hbm>>) dst(%dma_wait3A_27 : memref<80x128xf32, #tpu.memory_space<vmem>>)
    "tpu.region"() ({
      %run_scoped3A = tpu.sem_alloc : memref<!tpu.dma_semaphore, #tpu.memory_space<semaphore_mem>>
      %dma_start3A_33 = arith.constant 0 : i32
      %dma_start3A_34 = tpu.memref_slice %arg4[%mul3A_2, %dma_start3A_33] : memref<5120x128xf32, #tpu.memory_space<hbm>> -> memref<160x128xf32, #tpu.memory_space<hbm>>
      %dma_start3A_35 = arith.constant 0 : i32
      %dma_start3A_36 = tpu.memref_slice %arg4[%mul3A_2, %dma_start3A_35] : memref<5120x128xf32, #tpu.memory_space<hbm>> -> memref<160x128xf32, #tpu.memory_space<hbm>>
      tpu.enqueue_dma source(%arg6 : memref<160x128xf32, #tpu.memory_space<vmem>>) target(%dma_start3A_36 : memref<160x128xf32, #tpu.memory_space<hbm>>) target_semaphore(%run_scoped3A : memref<!tpu.dma_semaphore, #tpu.memory_space<semaphore_mem>>)
      %dma_wait3A_37 = arith.constant 0 : i32
      %dma_wait3A_38 = tpu.memref_slice %arg4[%mul3A_2, %dma_wait3A_37] : memref<5120x128xf32, #tpu.memory_space<hbm>> -> memref<160x128xf32, #tpu.memory_space<hbm>>
      %dma_wait3A_39 = arith.constant 0 : i32
      %dma_wait3A_40 = tpu.memref_slice %arg4[%mul3A_2, %dma_wait3A_39] : memref<5120x128xf32, #tpu.memory_space<hbm>> -> memref<160x128xf32, #tpu.memory_space<hbm>>
      tpu.wait_dma2 semaphore(%run_scoped3A : memref<!tpu.dma_semaphore, #tpu.memory_space<semaphore_mem>>) src(%arg6 : memref<160x128xf32, #tpu.memory_space<vmem>>) dst(%dma_wait3A_40 : memref<160x128xf32, #tpu.memory_space<hbm>>)
      tpu.yield
    }) : () -> ()
    return
  }
}

module attributes {stable_mosaic.version = 14 : i64} {
  func.func @_tc_block_body(%arg0: i32, %arg1: memref<1024x128xf32, #tpu.memory_space<vmem>>, %arg2: memref<4608x128xf32, #tpu.memory_space<vmem>>, %arg3: memref<1024x5xf32, #tpu.memory_space<vmem>>, %arg4: memref<1024x5xi32, #tpu.memory_space<vmem>>, %arg5: memref<352x1024xf32, #tpu.memory_space<vmem>>, %arg6: memref<352x1024xi32, #tpu.memory_space<vmem>>) attributes {dimension_semantics = [#tpu.dimension_semantics<arbitrary>], iteration_bounds = array<i64: 22>, scalar_prefetch = 0 : i64, scratch_operands = 2 : i64, tpu.core_type = #tpu.core_type<tc>, window_params = [{pipeline_mode = #tpu.pipeline_mode<synchronous>, transform_indices = @transform_0, window_bounds = array<i64: 1024, 128>}, {transform_indices = @transform_1, window_bounds = array<i64: 4608, 128>}, {pipeline_mode = #tpu.pipeline_mode<synchronous>, transform_indices = @transform_2, window_bounds = array<i64: 1024, 5>}, {pipeline_mode = #tpu.pipeline_mode<synchronous>, transform_indices = @transform_3, window_bounds = array<i64: 1024, 5>}]} {
    %get3A = arith.constant 0 : index
    %get3A_0 = arith.constant 0 : index
    %get3A_1 = vector.load %arg2[%get3A, %get3A_0] : memref<4608x128xf32, #tpu.memory_space<vmem>>, vector<4608x128xf32>
    %iota3A = tpu.iota {dimensions = array<i32: 0>} : vector<4608x1xi32>
    %mul3A = arith.constant 4608 : i32
    %mul3A_2 = arith.muli %arg0, %mul3A : i32
    %add3A = vector.broadcast %mul3A_2 : i32 to vector<4608x1xi32>
    %add3A_3 = arith.addi %iota3A, %add3A : vector<4608x1xi32>
    %lt3A = arith.constant 100000 : i32
    %lt3A_4 = vector.broadcast %lt3A : i32 to vector<4608x1xi32>
    %lt3A_5 = arith.cmpi slt, %add3A_3, %lt3A_4 : vector<4608x1xi32>
    %jit3A = arith.constant 0.000000e+00 : f32
    %broadcast_in_dim3A = vector.shape_cast %lt3A_5 : vector<4608x1xi1> to vector<4608x1xi1>
    %broadcast_in_dim3A_6 = vector.broadcast %broadcast_in_dim3A : vector<4608x1xi1> to vector<4608x128xi1>
    %broadcast_in_dim3A_7 = vector.broadcast %jit3A : f32 to vector<4608x128xf32>
    %select_n3A = arith.select %broadcast_in_dim3A_6, %get3A_1, %broadcast_in_dim3A_7 : vector<4608x128xi1>, vector<4608x128xf32>
    %get3A_8 = arith.constant 0 : index
    %get3A_9 = arith.constant 0 : index
    %get3A_10 = vector.load %arg1[%get3A_8, %get3A_9] : memref<1024x128xf32, #tpu.memory_space<vmem>>, vector<1024x128xf32>
    %slice3A = vector.extract_strided_slice %select_n3A {offsets = [0, 0], sizes = [2304, 128], strides = [1, 1]} : vector<4608x128xf32> to vector<2304x128xf32>
    %mul3A_11 = arith.constant 4608 : i32
    %mul3A_12 = arith.muli %arg0, %mul3A_11 : i32
    %slice3A_13 = vector.extract_strided_slice %slice3A {offsets = [0, 0], sizes = [128, 128], strides = [1, 1]} : vector<2304x128xf32> to vector<128x128xf32>
    %dot_general3A = arith.constant dense<0.000000e+00> : vector<128x1024xf32>
    %dot_general3A_14 = tpu.matmul %slice3A_13, %get3A_10, %dot_general3A {dimension_numbers = #tpu.dot_dimension_numbers<[1], [1], [0], [0], [0, 0, 1, 0], [], []>, transpose_lhs_hint = false} : vector<128x128xf32>, vector<1024x128xf32>, vector<128x1024xf32> -> vector<128x1024xf32>
    %slice3A_15 = vector.extract_strided_slice %slice3A {offsets = [128, 0], sizes = [128, 128], strides = [1, 1]} : vector<2304x128xf32> to vector<128x128xf32>
    %dot_general3A_16 = arith.constant dense<0.000000e+00> : vector<128x1024xf32>
    %dot_general3A_17 = tpu.matmul %slice3A_15, %get3A_10, %dot_general3A_16 {dimension_numbers = #tpu.dot_dimension_numbers<[1], [1], [0], [0], [0, 0, 1, 0], [], []>, transpose_lhs_hint = false} : vector<128x128xf32>, vector<1024x128xf32>, vector<128x1024xf32> -> vector<128x1024xf32>
    %max3A = arith.maximumf %dot_general3A_14, %dot_general3A_17 : vector<128x1024xf32>
    %slice3A_18 = vector.extract_strided_slice %slice3A {offsets = [256, 0], sizes = [128, 128], strides = [1, 1]} : vector<2304x128xf32> to vector<128x128xf32>
    %dot_general3A_19 = arith.constant dense<0.000000e+00> : vector<128x1024xf32>
    %dot_general3A_20 = tpu.matmul %slice3A_18, %get3A_10, %dot_general3A_19 {dimension_numbers = #tpu.dot_dimension_numbers<[1], [1], [0], [0], [0, 0, 1, 0], [], []>, transpose_lhs_hint = false} : vector<128x128xf32>, vector<1024x128xf32>, vector<128x1024xf32> -> vector<128x1024xf32>
    %max3A_21 = arith.maximumf %max3A, %dot_general3A_20 : vector<128x1024xf32>
    %slice3A_22 = vector.extract_strided_slice %slice3A {offsets = [384, 0], sizes = [128, 128], strides = [1, 1]} : vector<2304x128xf32> to vector<128x128xf32>
    %dot_general3A_23 = arith.constant dense<0.000000e+00> : vector<128x1024xf32>
    %dot_general3A_24 = tpu.matmul %slice3A_22, %get3A_10, %dot_general3A_23 {dimension_numbers = #tpu.dot_dimension_numbers<[1], [1], [0], [0], [0, 0, 1, 0], [], []>, transpose_lhs_hint = false} : vector<128x128xf32>, vector<1024x128xf32>, vector<128x1024xf32> -> vector<128x1024xf32>
    %max3A_25 = arith.maximumf %max3A_21, %dot_general3A_24 : vector<128x1024xf32>
    %slice3A_26 = vector.extract_strided_slice %slice3A {offsets = [512, 0], sizes = [128, 128], strides = [1, 1]} : vector<2304x128xf32> to vector<128x128xf32>
    %dot_general3A_27 = arith.constant dense<0.000000e+00> : vector<128x1024xf32>
    %dot_general3A_28 = tpu.matmul %slice3A_26, %get3A_10, %dot_general3A_27 {dimension_numbers = #tpu.dot_dimension_numbers<[1], [1], [0], [0], [0, 0, 1, 0], [], []>, transpose_lhs_hint = false} : vector<128x128xf32>, vector<1024x128xf32>, vector<128x1024xf32> -> vector<128x1024xf32>
    %max3A_29 = arith.maximumf %max3A_25, %dot_general3A_28 : vector<128x1024xf32>
    %slice3A_30 = vector.extract_strided_slice %slice3A {offsets = [640, 0], sizes = [128, 128], strides = [1, 1]} : vector<2304x128xf32> to vector<128x128xf32>
    %dot_general3A_31 = arith.constant dense<0.000000e+00> : vector<128x1024xf32>
    %dot_general3A_32 = tpu.matmul %slice3A_30, %get3A_10, %dot_general3A_31 {dimension_numbers = #tpu.dot_dimension_numbers<[1], [1], [0], [0], [0, 0, 1, 0], [], []>, transpose_lhs_hint = false} : vector<128x128xf32>, vector<1024x128xf32>, vector<128x1024xf32> -> vector<128x1024xf32>
    %max3A_33 = arith.maximumf %max3A_29, %dot_general3A_32 : vector<128x1024xf32>
    %slice3A_34 = vector.extract_strided_slice %slice3A {offsets = [768, 0], sizes = [128, 128], strides = [1, 1]} : vector<2304x128xf32> to vector<128x128xf32>
    %dot_general3A_35 = arith.constant dense<0.000000e+00> : vector<128x1024xf32>
    %dot_general3A_36 = tpu.matmul %slice3A_34, %get3A_10, %dot_general3A_35 {dimension_numbers = #tpu.dot_dimension_numbers<[1], [1], [0], [0], [0, 0, 1, 0], [], []>, transpose_lhs_hint = false} : vector<128x128xf32>, vector<1024x128xf32>, vector<128x1024xf32> -> vector<128x1024xf32>
    %max3A_37 = arith.maximumf %max3A_33, %dot_general3A_36 : vector<128x1024xf32>
    %slice3A_38 = vector.extract_strided_slice %slice3A {offsets = [896, 0], sizes = [128, 128], strides = [1, 1]} : vector<2304x128xf32> to vector<128x128xf32>
    %dot_general3A_39 = arith.constant dense<0.000000e+00> : vector<128x1024xf32>
    %dot_general3A_40 = tpu.matmul %slice3A_38, %get3A_10, %dot_general3A_39 {dimension_numbers = #tpu.dot_dimension_numbers<[1], [1], [0], [0], [0, 0, 1, 0], [], []>, transpose_lhs_hint = false} : vector<128x128xf32>, vector<1024x128xf32>, vector<128x1024xf32> -> vector<128x1024xf32>
    %max3A_41 = arith.maximumf %max3A_37, %dot_general3A_40 : vector<128x1024xf32>
    %slice3A_42 = vector.extract_strided_slice %slice3A {offsets = [1024, 0], sizes = [128, 128], strides = [1, 1]} : vector<2304x128xf32> to vector<128x128xf32>
    %dot_general3A_43 = arith.constant dense<0.000000e+00> : vector<128x1024xf32>
    %dot_general3A_44 = tpu.matmul %slice3A_42, %get3A_10, %dot_general3A_43 {dimension_numbers = #tpu.dot_dimension_numbers<[1], [1], [0], [0], [0, 0, 1, 0], [], []>, transpose_lhs_hint = false} : vector<128x128xf32>, vector<1024x128xf32>, vector<128x1024xf32> -> vector<128x1024xf32>
    %max3A_45 = arith.maximumf %max3A_41, %dot_general3A_44 : vector<128x1024xf32>
    %slice3A_46 = vector.extract_strided_slice %slice3A {offsets = [1152, 0], sizes = [128, 128], strides = [1, 1]} : vector<2304x128xf32> to vector<128x128xf32>
    %dot_general3A_47 = arith.constant dense<0.000000e+00> : vector<128x1024xf32>
    %dot_general3A_48 = tpu.matmul %slice3A_46, %get3A_10, %dot_general3A_47 {dimension_numbers = #tpu.dot_dimension_numbers<[1], [1], [0], [0], [0, 0, 1, 0], [], []>, transpose_lhs_hint = false} : vector<128x128xf32>, vector<1024x128xf32>, vector<128x1024xf32> -> vector<128x1024xf32>
    %max3A_49 = arith.maximumf %max3A_45, %dot_general3A_48 : vector<128x1024xf32>
    %slice3A_50 = vector.extract_strided_slice %slice3A {offsets = [1280, 0], sizes = [128, 128], strides = [1, 1]} : vector<2304x128xf32> to vector<128x128xf32>
    %dot_general3A_51 = arith.constant dense<0.000000e+00> : vector<128x1024xf32>
    %dot_general3A_52 = tpu.matmul %slice3A_50, %get3A_10, %dot_general3A_51 {dimension_numbers = #tpu.dot_dimension_numbers<[1], [1], [0], [0], [0, 0, 1, 0], [], []>, transpose_lhs_hint = false} : vector<128x128xf32>, vector<1024x128xf32>, vector<128x1024xf32> -> vector<128x1024xf32>
    %max3A_53 = arith.maximumf %max3A_49, %dot_general3A_52 : vector<128x1024xf32>
    %slice3A_54 = vector.extract_strided_slice %slice3A {offsets = [1408, 0], sizes = [128, 128], strides = [1, 1]} : vector<2304x128xf32> to vector<128x128xf32>
    %dot_general3A_55 = arith.constant dense<0.000000e+00> : vector<128x1024xf32>
    %dot_general3A_56 = tpu.matmul %slice3A_54, %get3A_10, %dot_general3A_55 {dimension_numbers = #tpu.dot_dimension_numbers<[1], [1], [0], [0], [0, 0, 1, 0], [], []>, transpose_lhs_hint = false} : vector<128x128xf32>, vector<1024x128xf32>, vector<128x1024xf32> -> vector<128x1024xf32>
    %max3A_57 = arith.maximumf %max3A_53, %dot_general3A_56 : vector<128x1024xf32>
    %slice3A_58 = vector.extract_strided_slice %slice3A {offsets = [1536, 0], sizes = [128, 128], strides = [1, 1]} : vector<2304x128xf32> to vector<128x128xf32>
    %dot_general3A_59 = arith.constant dense<0.000000e+00> : vector<128x1024xf32>
    %dot_general3A_60 = tpu.matmul %slice3A_58, %get3A_10, %dot_general3A_59 {dimension_numbers = #tpu.dot_dimension_numbers<[1], [1], [0], [0], [0, 0, 1, 0], [], []>, transpose_lhs_hint = false} : vector<128x128xf32>, vector<1024x128xf32>, vector<128x1024xf32> -> vector<128x1024xf32>
    %max3A_61 = arith.maximumf %max3A_57, %dot_general3A_60 : vector<128x1024xf32>
    %slice3A_62 = vector.extract_strided_slice %slice3A {offsets = [1664, 0], sizes = [128, 128], strides = [1, 1]} : vector<2304x128xf32> to vector<128x128xf32>
    %dot_general3A_63 = arith.constant dense<0.000000e+00> : vector<128x1024xf32>
    %dot_general3A_64 = tpu.matmul %slice3A_62, %get3A_10, %dot_general3A_63 {dimension_numbers = #tpu.dot_dimension_numbers<[1], [1], [0], [0], [0, 0, 1, 0], [], []>, transpose_lhs_hint = false} : vector<128x128xf32>, vector<1024x128xf32>, vector<128x1024xf32> -> vector<128x1024xf32>
    %max3A_65 = arith.maximumf %max3A_61, %dot_general3A_64 : vector<128x1024xf32>
    %slice3A_66 = vector.extract_strided_slice %slice3A {offsets = [1792, 0], sizes = [128, 128], strides = [1, 1]} : vector<2304x128xf32> to vector<128x128xf32>
    %dot_general3A_67 = arith.constant dense<0.000000e+00> : vector<128x1024xf32>
    %dot_general3A_68 = tpu.matmul %slice3A_66, %get3A_10, %dot_general3A_67 {dimension_numbers = #tpu.dot_dimension_numbers<[1], [1], [0], [0], [0, 0, 1, 0], [], []>, transpose_lhs_hint = false} : vector<128x128xf32>, vector<1024x128xf32>, vector<128x1024xf32> -> vector<128x1024xf32>
    %max3A_69 = arith.maximumf %max3A_65, %dot_general3A_68 : vector<128x1024xf32>
    %slice3A_70 = vector.extract_strided_slice %slice3A {offsets = [1920, 0], sizes = [128, 128], strides = [1, 1]} : vector<2304x128xf32> to vector<128x128xf32>
    %dot_general3A_71 = arith.constant dense<0.000000e+00> : vector<128x1024xf32>
    %dot_general3A_72 = tpu.matmul %slice3A_70, %get3A_10, %dot_general3A_71 {dimension_numbers = #tpu.dot_dimension_numbers<[1], [1], [0], [0], [0, 0, 1, 0], [], []>, transpose_lhs_hint = false} : vector<128x128xf32>, vector<1024x128xf32>, vector<128x1024xf32> -> vector<128x1024xf32>
    %max3A_73 = arith.maximumf %max3A_69, %dot_general3A_72 : vector<128x1024xf32>
    %slice3A_74 = vector.extract_strided_slice %slice3A {offsets = [2048, 0], sizes = [128, 128], strides = [1, 1]} : vector<2304x128xf32> to vector<128x128xf32>
    %dot_general3A_75 = arith.constant dense<0.000000e+00> : vector<128x1024xf32>
    %dot_general3A_76 = tpu.matmul %slice3A_74, %get3A_10, %dot_general3A_75 {dimension_numbers = #tpu.dot_dimension_numbers<[1], [1], [0], [0], [0, 0, 1, 0], [], []>, transpose_lhs_hint = false} : vector<128x128xf32>, vector<1024x128xf32>, vector<128x1024xf32> -> vector<128x1024xf32>
    %max3A_77 = arith.maximumf %max3A_73, %dot_general3A_76 : vector<128x1024xf32>
    %slice3A_78 = vector.extract_strided_slice %slice3A {offsets = [2176, 0], sizes = [128, 128], strides = [1, 1]} : vector<2304x128xf32> to vector<128x128xf32>
    %dot_general3A_79 = arith.constant dense<0.000000e+00> : vector<128x1024xf32>
    %dot_general3A_80 = tpu.matmul %slice3A_78, %get3A_10, %dot_general3A_79 {dimension_numbers = #tpu.dot_dimension_numbers<[1], [1], [0], [0], [0, 0, 1, 0], [], []>, transpose_lhs_hint = false} : vector<128x128xf32>, vector<1024x128xf32>, vector<128x1024xf32> -> vector<128x1024xf32>
    %max3A_81 = arith.maximumf %max3A_77, %dot_general3A_80 : vector<128x1024xf32>
    %iota3A_82 = tpu.iota {dimensions = array<i32: 0>} : vector<128x1xi32>
    %convert_element_type3A = arith.sitofp %iota3A_82 : vector<128x1xi32> to vector<128x1xf32>
    %add3A_83 = arith.constant 4.000000e+00 : f32
    %add3A_84 = vector.broadcast %add3A_83 : f32 to vector<128x1024xf32>
    %add3A_85 = arith.addf %max3A_81, %add3A_84 : vector<128x1024xf32>
    %mul3A_86 = arith.constant 8.192000e+03 : f32
    %mul3A_87 = vector.broadcast %mul3A_86 : f32 to vector<128x1024xf32>
    %mul3A_88 = arith.mulf %add3A_85, %mul3A_87 : vector<128x1024xf32>
    %floor3A = math.floor %mul3A_88 : vector<128x1024xf32>
    %mul3A_89 = arith.constant 1.280000e+02 : f32
    %mul3A_90 = vector.broadcast %mul3A_89 : f32 to vector<128x1024xf32>
    %mul3A_91 = arith.mulf %floor3A, %mul3A_90 : vector<128x1024xf32>
    %add3A_92 = vector.broadcast %convert_element_type3A : vector<128x1xf32> to vector<128x1024xf32>
    %add3A_93 = arith.addf %mul3A_91, %add3A_92 : vector<128x1024xf32>
    %reduce_max3A = arith.constant dense<0xFF800000> : vector<1024xf32>
    %reduce_max3A_94 = vector.multi_reduction <maximumf>, %add3A_93, %reduce_max3A [0] : vector<128x1024xf32> to vector<1024xf32>
    %broadcast_in_dim3A_95 = vector.shape_cast %reduce_max3A_94 : vector<1024xf32> to vector<1x1024xf32>
    %mul3A_96 = arith.constant 7.812500e-03 : f32
    %mul3A_97 = vector.broadcast %mul3A_96 : f32 to vector<1x1024xf32>
    %mul3A_98 = arith.mulf %broadcast_in_dim3A_95, %mul3A_97 : vector<1x1024xf32>
    %floor3A_99 = math.floor %mul3A_98 : vector<1x1024xf32>
    %mul3A_100 = arith.constant 1.280000e+02 : f32
    %mul3A_101 = vector.broadcast %mul3A_100 : f32 to vector<1x1024xf32>
    %mul3A_102 = arith.mulf %floor3A_99, %mul3A_101 : vector<1x1024xf32>
    %sub3A = arith.subf %broadcast_in_dim3A_95, %mul3A_102 : vector<1x1024xf32>
    %eq3A = vector.broadcast %broadcast_in_dim3A_95 : vector<1x1024xf32> to vector<128x1024xf32>
    %eq3A_103 = arith.cmpf oeq, %add3A_93, %eq3A : vector<128x1024xf32>
    %jit3A_104 = arith.constant -1.000000e+00 : f32
    %broadcast_in_dim3A_105 = vector.broadcast %jit3A_104 : f32 to vector<128x1024xf32>
    %select_n3A_106 = arith.select %eq3A_103, %broadcast_in_dim3A_105, %add3A_93 : vector<128x1024xi1>, vector<128x1024xf32>
    %reduce_max3A_107 = arith.constant dense<0xFF800000> : vector<1024xf32>
    %reduce_max3A_108 = vector.multi_reduction <maximumf>, %select_n3A_106, %reduce_max3A_107 [0] : vector<128x1024xf32> to vector<1024xf32>
    %broadcast_in_dim3A_109 = vector.shape_cast %reduce_max3A_108 : vector<1024xf32> to vector<1x1024xf32>
    %mul3A_110 = arith.constant 7.812500e-03 : f32
    %mul3A_111 = vector.broadcast %mul3A_110 : f32 to vector<1x1024xf32>
    %mul3A_112 = arith.mulf %broadcast_in_dim3A_109, %mul3A_111 : vector<1x1024xf32>
    %floor3A_113 = math.floor %mul3A_112 : vector<1x1024xf32>
    %mul3A_114 = arith.constant 1.280000e+02 : f32
    %mul3A_115 = vector.broadcast %mul3A_114 : f32 to vector<1x1024xf32>
    %mul3A_116 = arith.mulf %floor3A_113, %mul3A_115 : vector<1x1024xf32>
    %sub3A_117 = arith.subf %broadcast_in_dim3A_109, %mul3A_116 : vector<1x1024xf32>
    %eq3A_118 = vector.broadcast %broadcast_in_dim3A_109 : vector<1x1024xf32> to vector<128x1024xf32>
    %eq3A_119 = arith.cmpf oeq, %select_n3A_106, %eq3A_118 : vector<128x1024xf32>
    %jit3A_120 = arith.constant -1.000000e+00 : f32
    %broadcast_in_dim3A_121 = vector.broadcast %jit3A_120 : f32 to vector<128x1024xf32>
    %select_n3A_122 = arith.select %eq3A_119, %broadcast_in_dim3A_121, %select_n3A_106 : vector<128x1024xi1>, vector<128x1024xf32>
    %reduce_max3A_123 = arith.constant dense<0xFF800000> : vector<1024xf32>
    %reduce_max3A_124 = vector.multi_reduction <maximumf>, %select_n3A_122, %reduce_max3A_123 [0] : vector<128x1024xf32> to vector<1024xf32>
    %broadcast_in_dim3A_125 = vector.shape_cast %reduce_max3A_124 : vector<1024xf32> to vector<1x1024xf32>
    %mul3A_126 = arith.constant 7.812500e-03 : f32
    %mul3A_127 = vector.broadcast %mul3A_126 : f32 to vector<1x1024xf32>
    %mul3A_128 = arith.mulf %broadcast_in_dim3A_125, %mul3A_127 : vector<1x1024xf32>
    %floor3A_129 = math.floor %mul3A_128 : vector<1x1024xf32>
    %mul3A_130 = arith.constant 1.280000e+02 : f32
    %mul3A_131 = vector.broadcast %mul3A_130 : f32 to vector<1x1024xf32>
    %mul3A_132 = arith.mulf %floor3A_129, %mul3A_131 : vector<1x1024xf32>
    %sub3A_133 = arith.subf %broadcast_in_dim3A_125, %mul3A_132 : vector<1x1024xf32>
    %eq3A_134 = vector.broadcast %broadcast_in_dim3A_125 : vector<1x1024xf32> to vector<128x1024xf32>
    %eq3A_135 = arith.cmpf oeq, %select_n3A_122, %eq3A_134 : vector<128x1024xf32>
    %jit3A_136 = arith.constant -1.000000e+00 : f32
    %broadcast_in_dim3A_137 = vector.broadcast %jit3A_136 : f32 to vector<128x1024xf32>
    %select_n3A_138 = arith.select %eq3A_135, %broadcast_in_dim3A_137, %select_n3A_122 : vector<128x1024xi1>, vector<128x1024xf32>
    %reduce_max3A_139 = arith.constant dense<0xFF800000> : vector<1024xf32>
    %reduce_max3A_140 = vector.multi_reduction <maximumf>, %select_n3A_138, %reduce_max3A_139 [0] : vector<128x1024xf32> to vector<1024xf32>
    %broadcast_in_dim3A_141 = vector.shape_cast %reduce_max3A_140 : vector<1024xf32> to vector<1x1024xf32>
    %mul3A_142 = arith.constant 7.812500e-03 : f32
    %mul3A_143 = vector.broadcast %mul3A_142 : f32 to vector<1x1024xf32>
    %mul3A_144 = arith.mulf %broadcast_in_dim3A_141, %mul3A_143 : vector<1x1024xf32>
    %floor3A_145 = math.floor %mul3A_144 : vector<1x1024xf32>
    %mul3A_146 = arith.constant 1.280000e+02 : f32
    %mul3A_147 = vector.broadcast %mul3A_146 : f32 to vector<1x1024xf32>
    %mul3A_148 = arith.mulf %floor3A_145, %mul3A_147 : vector<1x1024xf32>
    %sub3A_149 = arith.subf %broadcast_in_dim3A_141, %mul3A_148 : vector<1x1024xf32>
    %eq3A_150 = vector.broadcast %broadcast_in_dim3A_141 : vector<1x1024xf32> to vector<128x1024xf32>
    %eq3A_151 = arith.cmpf oeq, %select_n3A_138, %eq3A_150 : vector<128x1024xf32>
    %jit3A_152 = arith.constant -1.000000e+00 : f32
    %broadcast_in_dim3A_153 = vector.broadcast %jit3A_152 : f32 to vector<128x1024xf32>
    %select_n3A_154 = arith.select %eq3A_151, %broadcast_in_dim3A_153, %select_n3A_138 : vector<128x1024xi1>, vector<128x1024xf32>
    %reduce_max3A_155 = arith.constant dense<0xFF800000> : vector<1024xf32>
    %reduce_max3A_156 = vector.multi_reduction <maximumf>, %select_n3A_154, %reduce_max3A_155 [0] : vector<128x1024xf32> to vector<1024xf32>
    %broadcast_in_dim3A_157 = vector.shape_cast %reduce_max3A_156 : vector<1024xf32> to vector<1x1024xf32>
    %mul3A_158 = arith.constant 7.812500e-03 : f32
    %mul3A_159 = vector.broadcast %mul3A_158 : f32 to vector<1x1024xf32>
    %mul3A_160 = arith.mulf %broadcast_in_dim3A_157, %mul3A_159 : vector<1x1024xf32>
    %floor3A_161 = math.floor %mul3A_160 : vector<1x1024xf32>
    %mul3A_162 = arith.constant 1.280000e+02 : f32
    %mul3A_163 = vector.broadcast %mul3A_162 : f32 to vector<1x1024xf32>
    %mul3A_164 = arith.mulf %floor3A_161, %mul3A_163 : vector<1x1024xf32>
    %sub3A_165 = arith.subf %broadcast_in_dim3A_157, %mul3A_164 : vector<1x1024xf32>
    %eq3A_166 = vector.broadcast %broadcast_in_dim3A_157 : vector<1x1024xf32> to vector<128x1024xf32>
    %eq3A_167 = arith.cmpf oeq, %select_n3A_154, %eq3A_166 : vector<128x1024xf32>
    %jit3A_168 = arith.constant -1.000000e+00 : f32
    %broadcast_in_dim3A_169 = vector.broadcast %jit3A_168 : f32 to vector<128x1024xf32>
    %select_n3A_170 = arith.select %eq3A_167, %broadcast_in_dim3A_169, %select_n3A_154 : vector<128x1024xi1>, vector<128x1024xf32>
    %reduce_max3A_171 = arith.constant dense<0xFF800000> : vector<1024xf32>
    %reduce_max3A_172 = vector.multi_reduction <maximumf>, %select_n3A_170, %reduce_max3A_171 [0] : vector<128x1024xf32> to vector<1024xf32>
    %broadcast_in_dim3A_173 = vector.shape_cast %reduce_max3A_172 : vector<1024xf32> to vector<1x1024xf32>
    %mul3A_174 = arith.constant 7.812500e-03 : f32
    %mul3A_175 = vector.broadcast %mul3A_174 : f32 to vector<1x1024xf32>
    %mul3A_176 = arith.mulf %broadcast_in_dim3A_173, %mul3A_175 : vector<1x1024xf32>
    %floor3A_177 = math.floor %mul3A_176 : vector<1x1024xf32>
    %mul3A_178 = arith.constant 1.280000e+02 : f32
    %mul3A_179 = vector.broadcast %mul3A_178 : f32 to vector<1x1024xf32>
    %mul3A_180 = arith.mulf %floor3A_177, %mul3A_179 : vector<1x1024xf32>
    %sub3A_181 = arith.subf %broadcast_in_dim3A_173, %mul3A_180 : vector<1x1024xf32>
    %eq3A_182 = vector.broadcast %broadcast_in_dim3A_173 : vector<1x1024xf32> to vector<128x1024xf32>
    %eq3A_183 = arith.cmpf oeq, %select_n3A_170, %eq3A_182 : vector<128x1024xf32>
    %jit3A_184 = arith.constant -1.000000e+00 : f32
    %broadcast_in_dim3A_185 = vector.broadcast %jit3A_184 : f32 to vector<128x1024xf32>
    %select_n3A_186 = arith.select %eq3A_183, %broadcast_in_dim3A_185, %select_n3A_170 : vector<128x1024xi1>, vector<128x1024xf32>
    %reduce_max3A_187 = arith.constant dense<0xFF800000> : vector<1024xf32>
    %reduce_max3A_188 = vector.multi_reduction <maximumf>, %select_n3A_186, %reduce_max3A_187 [0] : vector<128x1024xf32> to vector<1024xf32>
    %broadcast_in_dim3A_189 = vector.shape_cast %reduce_max3A_188 : vector<1024xf32> to vector<1x1024xf32>
    %mul3A_190 = arith.constant 7.812500e-03 : f32
    %mul3A_191 = vector.broadcast %mul3A_190 : f32 to vector<1x1024xf32>
    %mul3A_192 = arith.mulf %broadcast_in_dim3A_189, %mul3A_191 : vector<1x1024xf32>
    %floor3A_193 = math.floor %mul3A_192 : vector<1x1024xf32>
    %mul3A_194 = arith.constant 1.280000e+02 : f32
    %mul3A_195 = vector.broadcast %mul3A_194 : f32 to vector<1x1024xf32>
    %mul3A_196 = arith.mulf %floor3A_193, %mul3A_195 : vector<1x1024xf32>
    %sub3A_197 = arith.subf %broadcast_in_dim3A_189, %mul3A_196 : vector<1x1024xf32>
    %concatenate3A = tpu.concatenate %sub3A, %sub3A_117, %sub3A_133, %sub3A_149, %sub3A_165, %sub3A_181, %sub3A_197 in 0 : vector<1x1024xf32>, vector<1x1024xf32>, vector<1x1024xf32>, vector<1x1024xf32>, vector<1x1024xf32>, vector<1x1024xf32>, vector<1x1024xf32> -> vector<7x1024xf32>
    %transpose3A = tpu.transpose %concatenate3A, [1, 0] : vector<7x1024xf32> -> vector<1024x7xf32>
    %convert_element_type3A_198 = arith.fptosi %transpose3A : vector<1024x7xf32> to vector<1024x7xi32>
    %slice3A_199 = vector.extract_strided_slice %slice3A {offsets = [0, 0], sizes = [128, 128], strides = [1, 1]} : vector<2304x128xf32> to vector<128x128xf32>
    %dot_general3A_200 = arith.constant dense<0.000000e+00> : vector<1024x128xf32>
    %dot_general3A_201 = tpu.matmul %get3A_10, %slice3A_199, %dot_general3A_200 {dimension_numbers = #tpu.dot_dimension_numbers<[1], [1], [0], [0], [0, 0, 1, 0], [], []>, transpose_lhs_hint = false} : vector<1024x128xf32>, vector<128x128xf32>, vector<1024x128xf32> -> vector<1024x128xf32>
    %lt3A_202 = arith.constant 0 : i32
    %lt3A_203 = vector.broadcast %lt3A_202 : i32 to vector<1024x7xi32>
    %lt3A_204 = arith.cmpi slt, %convert_element_type3A_198, %lt3A_203 : vector<1024x7xi32>
    %add3A_205 = arith.constant 128 : i32
    %add3A_206 = vector.broadcast %add3A_205 : i32 to vector<1024x7xi32>
    %add3A_207 = arith.addi %convert_element_type3A_198, %add3A_206 : vector<1024x7xi32>
    %select_n3A_208 = arith.select %lt3A_204, %add3A_207, %convert_element_type3A_198 : vector<1024x7xi1>, vector<1024x7xi32>
    %reshape3A = vector.shape_cast %select_n3A_208 : vector<1024x7xi32> to vector<1024x7x1xi32>
    %gather3A = vector.shape_cast %reshape3A : vector<1024x7x1xi32> to vector<1024x7xi32>
    %gather3A_209 = tpu.dynamic_gather %dot_general3A_201[%gather3A] in [1] : vector<1024x128xf32>, vector<1024x7xi32> -> vector<1024x7xf32>
    %slice3A_210 = vector.extract_strided_slice %slice3A {offsets = [128, 0], sizes = [128, 128], strides = [1, 1]} : vector<2304x128xf32> to vector<128x128xf32>
    %dot_general3A_211 = arith.constant dense<0.000000e+00> : vector<1024x128xf32>
    %dot_general3A_212 = tpu.matmul %get3A_10, %slice3A_210, %dot_general3A_211 {dimension_numbers = #tpu.dot_dimension_numbers<[1], [1], [0], [0], [0, 0, 1, 0], [], []>, transpose_lhs_hint = false} : vector<1024x128xf32>, vector<128x128xf32>, vector<1024x128xf32> -> vector<1024x128xf32>
    %lt3A_213 = arith.constant 0 : i32
    %lt3A_214 = vector.broadcast %lt3A_213 : i32 to vector<1024x7xi32>
    %lt3A_215 = arith.cmpi slt, %convert_element_type3A_198, %lt3A_214 : vector<1024x7xi32>
    %add3A_216 = arith.constant 128 : i32
    %add3A_217 = vector.broadcast %add3A_216 : i32 to vector<1024x7xi32>
    %add3A_218 = arith.addi %convert_element_type3A_198, %add3A_217 : vector<1024x7xi32>
    %select_n3A_219 = arith.select %lt3A_215, %add3A_218, %convert_element_type3A_198 : vector<1024x7xi1>, vector<1024x7xi32>
    %reshape3A_220 = vector.shape_cast %select_n3A_219 : vector<1024x7xi32> to vector<1024x7x1xi32>
    %gather3A_221 = vector.shape_cast %reshape3A_220 : vector<1024x7x1xi32> to vector<1024x7xi32>
    %gather3A_222 = tpu.dynamic_gather %dot_general3A_212[%gather3A_221] in [1] : vector<1024x128xf32>, vector<1024x7xi32> -> vector<1024x7xf32>
    %slice3A_223 = vector.extract_strided_slice %slice3A {offsets = [256, 0], sizes = [128, 128], strides = [1, 1]} : vector<2304x128xf32> to vector<128x128xf32>
    %dot_general3A_224 = arith.constant dense<0.000000e+00> : vector<1024x128xf32>
    %dot_general3A_225 = tpu.matmul %get3A_10, %slice3A_223, %dot_general3A_224 {dimension_numbers = #tpu.dot_dimension_numbers<[1], [1], [0], [0], [0, 0, 1, 0], [], []>, transpose_lhs_hint = false} : vector<1024x128xf32>, vector<128x128xf32>, vector<1024x128xf32> -> vector<1024x128xf32>
    %lt3A_226 = arith.constant 0 : i32
    %lt3A_227 = vector.broadcast %lt3A_226 : i32 to vector<1024x7xi32>
    %lt3A_228 = arith.cmpi slt, %convert_element_type3A_198, %lt3A_227 : vector<1024x7xi32>
    %add3A_229 = arith.constant 128 : i32
    %add3A_230 = vector.broadcast %add3A_229 : i32 to vector<1024x7xi32>
    %add3A_231 = arith.addi %convert_element_type3A_198, %add3A_230 : vector<1024x7xi32>
    %select_n3A_232 = arith.select %lt3A_228, %add3A_231, %convert_element_type3A_198 : vector<1024x7xi1>, vector<1024x7xi32>
    %reshape3A_233 = vector.shape_cast %select_n3A_232 : vector<1024x7xi32> to vector<1024x7x1xi32>
    %gather3A_234 = vector.shape_cast %reshape3A_233 : vector<1024x7x1xi32> to vector<1024x7xi32>
    %gather3A_235 = tpu.dynamic_gather %dot_general3A_225[%gather3A_234] in [1] : vector<1024x128xf32>, vector<1024x7xi32> -> vector<1024x7xf32>
    %slice3A_236 = vector.extract_strided_slice %slice3A {offsets = [384, 0], sizes = [128, 128], strides = [1, 1]} : vector<2304x128xf32> to vector<128x128xf32>
    %dot_general3A_237 = arith.constant dense<0.000000e+00> : vector<1024x128xf32>
    %dot_general3A_238 = tpu.matmul %get3A_10, %slice3A_236, %dot_general3A_237 {dimension_numbers = #tpu.dot_dimension_numbers<[1], [1], [0], [0], [0, 0, 1, 0], [], []>, transpose_lhs_hint = false} : vector<1024x128xf32>, vector<128x128xf32>, vector<1024x128xf32> -> vector<1024x128xf32>
    %lt3A_239 = arith.constant 0 : i32
    %lt3A_240 = vector.broadcast %lt3A_239 : i32 to vector<1024x7xi32>
    %lt3A_241 = arith.cmpi slt, %convert_element_type3A_198, %lt3A_240 : vector<1024x7xi32>
    %add3A_242 = arith.constant 128 : i32
    %add3A_243 = vector.broadcast %add3A_242 : i32 to vector<1024x7xi32>
    %add3A_244 = arith.addi %convert_element_type3A_198, %add3A_243 : vector<1024x7xi32>
    %select_n3A_245 = arith.select %lt3A_241, %add3A_244, %convert_element_type3A_198 : vector<1024x7xi1>, vector<1024x7xi32>
    %reshape3A_246 = vector.shape_cast %select_n3A_245 : vector<1024x7xi32> to vector<1024x7x1xi32>
    %gather3A_247 = vector.shape_cast %reshape3A_246 : vector<1024x7x1xi32> to vector<1024x7xi32>
    %gather3A_248 = tpu.dynamic_gather %dot_general3A_238[%gather3A_247] in [1] : vector<1024x128xf32>, vector<1024x7xi32> -> vector<1024x7xf32>
    %slice3A_249 = vector.extract_strided_slice %slice3A {offsets = [512, 0], sizes = [128, 128], strides = [1, 1]} : vector<2304x128xf32> to vector<128x128xf32>
    %dot_general3A_250 = arith.constant dense<0.000000e+00> : vector<1024x128xf32>
    %dot_general3A_251 = tpu.matmul %get3A_10, %slice3A_249, %dot_general3A_250 {dimension_numbers = #tpu.dot_dimension_numbers<[1], [1], [0], [0], [0, 0, 1, 0], [], []>, transpose_lhs_hint = false} : vector<1024x128xf32>, vector<128x128xf32>, vector<1024x128xf32> -> vector<1024x128xf32>
    %lt3A_252 = arith.constant 0 : i32
    %lt3A_253 = vector.broadcast %lt3A_252 : i32 to vector<1024x7xi32>
    %lt3A_254 = arith.cmpi slt, %convert_element_type3A_198, %lt3A_253 : vector<1024x7xi32>
    %add3A_255 = arith.constant 128 : i32
    %add3A_256 = vector.broadcast %add3A_255 : i32 to vector<1024x7xi32>
    %add3A_257 = arith.addi %convert_element_type3A_198, %add3A_256 : vector<1024x7xi32>
    %select_n3A_258 = arith.select %lt3A_254, %add3A_257, %convert_element_type3A_198 : vector<1024x7xi1>, vector<1024x7xi32>
    %reshape3A_259 = vector.shape_cast %select_n3A_258 : vector<1024x7xi32> to vector<1024x7x1xi32>
    %gather3A_260 = vector.shape_cast %reshape3A_259 : vector<1024x7x1xi32> to vector<1024x7xi32>
    %gather3A_261 = tpu.dynamic_gather %dot_general3A_251[%gather3A_260] in [1] : vector<1024x128xf32>, vector<1024x7xi32> -> vector<1024x7xf32>
    %slice3A_262 = vector.extract_strided_slice %slice3A {offsets = [640, 0], sizes = [128, 128], strides = [1, 1]} : vector<2304x128xf32> to vector<128x128xf32>
    %dot_general3A_263 = arith.constant dense<0.000000e+00> : vector<1024x128xf32>
    %dot_general3A_264 = tpu.matmul %get3A_10, %slice3A_262, %dot_general3A_263 {dimension_numbers = #tpu.dot_dimension_numbers<[1], [1], [0], [0], [0, 0, 1, 0], [], []>, transpose_lhs_hint = false} : vector<1024x128xf32>, vector<128x128xf32>, vector<1024x128xf32> -> vector<1024x128xf32>
    %lt3A_265 = arith.constant 0 : i32
    %lt3A_266 = vector.broadcast %lt3A_265 : i32 to vector<1024x7xi32>
    %lt3A_267 = arith.cmpi slt, %convert_element_type3A_198, %lt3A_266 : vector<1024x7xi32>
    %add3A_268 = arith.constant 128 : i32
    %add3A_269 = vector.broadcast %add3A_268 : i32 to vector<1024x7xi32>
    %add3A_270 = arith.addi %convert_element_type3A_198, %add3A_269 : vector<1024x7xi32>
    %select_n3A_271 = arith.select %lt3A_267, %add3A_270, %convert_element_type3A_198 : vector<1024x7xi1>, vector<1024x7xi32>
    %reshape3A_272 = vector.shape_cast %select_n3A_271 : vector<1024x7xi32> to vector<1024x7x1xi32>
    %gather3A_273 = vector.shape_cast %reshape3A_272 : vector<1024x7x1xi32> to vector<1024x7xi32>
    %gather3A_274 = tpu.dynamic_gather %dot_general3A_264[%gather3A_273] in [1] : vector<1024x128xf32>, vector<1024x7xi32> -> vector<1024x7xf32>
    %slice3A_275 = vector.extract_strided_slice %slice3A {offsets = [768, 0], sizes = [128, 128], strides = [1, 1]} : vector<2304x128xf32> to vector<128x128xf32>
    %dot_general3A_276 = arith.constant dense<0.000000e+00> : vector<1024x128xf32>
    %dot_general3A_277 = tpu.matmul %get3A_10, %slice3A_275, %dot_general3A_276 {dimension_numbers = #tpu.dot_dimension_numbers<[1], [1], [0], [0], [0, 0, 1, 0], [], []>, transpose_lhs_hint = false} : vector<1024x128xf32>, vector<128x128xf32>, vector<1024x128xf32> -> vector<1024x128xf32>
    %lt3A_278 = arith.constant 0 : i32
    %lt3A_279 = vector.broadcast %lt3A_278 : i32 to vector<1024x7xi32>
    %lt3A_280 = arith.cmpi slt, %convert_element_type3A_198, %lt3A_279 : vector<1024x7xi32>
    %add3A_281 = arith.constant 128 : i32
    %add3A_282 = vector.broadcast %add3A_281 : i32 to vector<1024x7xi32>
    %add3A_283 = arith.addi %convert_element_type3A_198, %add3A_282 : vector<1024x7xi32>
    %select_n3A_284 = arith.select %lt3A_280, %add3A_283, %convert_element_type3A_198 : vector<1024x7xi1>, vector<1024x7xi32>
    %reshape3A_285 = vector.shape_cast %select_n3A_284 : vector<1024x7xi32> to vector<1024x7x1xi32>
    %gather3A_286 = vector.shape_cast %reshape3A_285 : vector<1024x7x1xi32> to vector<1024x7xi32>
    %gather3A_287 = tpu.dynamic_gather %dot_general3A_277[%gather3A_286] in [1] : vector<1024x128xf32>, vector<1024x7xi32> -> vector<1024x7xf32>
    %slice3A_288 = vector.extract_strided_slice %slice3A {offsets = [896, 0], sizes = [128, 128], strides = [1, 1]} : vector<2304x128xf32> to vector<128x128xf32>
    %dot_general3A_289 = arith.constant dense<0.000000e+00> : vector<1024x128xf32>
    %dot_general3A_290 = tpu.matmul %get3A_10, %slice3A_288, %dot_general3A_289 {dimension_numbers = #tpu.dot_dimension_numbers<[1], [1], [0], [0], [0, 0, 1, 0], [], []>, transpose_lhs_hint = false} : vector<1024x128xf32>, vector<128x128xf32>, vector<1024x128xf32> -> vector<1024x128xf32>
    %lt3A_291 = arith.constant 0 : i32
    %lt3A_292 = vector.broadcast %lt3A_291 : i32 to vector<1024x7xi32>
    %lt3A_293 = arith.cmpi slt, %convert_element_type3A_198, %lt3A_292 : vector<1024x7xi32>
    %add3A_294 = arith.constant 128 : i32
    %add3A_295 = vector.broadcast %add3A_294 : i32 to vector<1024x7xi32>
    %add3A_296 = arith.addi %convert_element_type3A_198, %add3A_295 : vector<1024x7xi32>
    %select_n3A_297 = arith.select %lt3A_293, %add3A_296, %convert_element_type3A_198 : vector<1024x7xi1>, vector<1024x7xi32>
    %reshape3A_298 = vector.shape_cast %select_n3A_297 : vector<1024x7xi32> to vector<1024x7x1xi32>
    %gather3A_299 = vector.shape_cast %reshape3A_298 : vector<1024x7x1xi32> to vector<1024x7xi32>
    %gather3A_300 = tpu.dynamic_gather %dot_general3A_290[%gather3A_299] in [1] : vector<1024x128xf32>, vector<1024x7xi32> -> vector<1024x7xf32>
    %slice3A_301 = vector.extract_strided_slice %slice3A {offsets = [1024, 0], sizes = [128, 128], strides = [1, 1]} : vector<2304x128xf32> to vector<128x128xf32>
    %dot_general3A_302 = arith.constant dense<0.000000e+00> : vector<1024x128xf32>
    %dot_general3A_303 = tpu.matmul %get3A_10, %slice3A_301, %dot_general3A_302 {dimension_numbers = #tpu.dot_dimension_numbers<[1], [1], [0], [0], [0, 0, 1, 0], [], []>, transpose_lhs_hint = false} : vector<1024x128xf32>, vector<128x128xf32>, vector<1024x128xf32> -> vector<1024x128xf32>
    %lt3A_304 = arith.constant 0 : i32
    %lt3A_305 = vector.broadcast %lt3A_304 : i32 to vector<1024x7xi32>
    %lt3A_306 = arith.cmpi slt, %convert_element_type3A_198, %lt3A_305 : vector<1024x7xi32>
    %add3A_307 = arith.constant 128 : i32
    %add3A_308 = vector.broadcast %add3A_307 : i32 to vector<1024x7xi32>
    %add3A_309 = arith.addi %convert_element_type3A_198, %add3A_308 : vector<1024x7xi32>
    %select_n3A_310 = arith.select %lt3A_306, %add3A_309, %convert_element_type3A_198 : vector<1024x7xi1>, vector<1024x7xi32>
    %reshape3A_311 = vector.shape_cast %select_n3A_310 : vector<1024x7xi32> to vector<1024x7x1xi32>
    %gather3A_312 = vector.shape_cast %reshape3A_311 : vector<1024x7x1xi32> to vector<1024x7xi32>
    %gather3A_313 = tpu.dynamic_gather %dot_general3A_303[%gather3A_312] in [1] : vector<1024x128xf32>, vector<1024x7xi32> -> vector<1024x7xf32>
    %slice3A_314 = vector.extract_strided_slice %slice3A {offsets = [1152, 0], sizes = [128, 128], strides = [1, 1]} : vector<2304x128xf32> to vector<128x128xf32>
    %dot_general3A_315 = arith.constant dense<0.000000e+00> : vector<1024x128xf32>
    %dot_general3A_316 = tpu.matmul %get3A_10, %slice3A_314, %dot_general3A_315 {dimension_numbers = #tpu.dot_dimension_numbers<[1], [1], [0], [0], [0, 0, 1, 0], [], []>, transpose_lhs_hint = false} : vector<1024x128xf32>, vector<128x128xf32>, vector<1024x128xf32> -> vector<1024x128xf32>
    %lt3A_317 = arith.constant 0 : i32
    %lt3A_318 = vector.broadcast %lt3A_317 : i32 to vector<1024x7xi32>
    %lt3A_319 = arith.cmpi slt, %convert_element_type3A_198, %lt3A_318 : vector<1024x7xi32>
    %add3A_320 = arith.constant 128 : i32
    %add3A_321 = vector.broadcast %add3A_320 : i32 to vector<1024x7xi32>
    %add3A_322 = arith.addi %convert_element_type3A_198, %add3A_321 : vector<1024x7xi32>
    %select_n3A_323 = arith.select %lt3A_319, %add3A_322, %convert_element_type3A_198 : vector<1024x7xi1>, vector<1024x7xi32>
    %reshape3A_324 = vector.shape_cast %select_n3A_323 : vector<1024x7xi32> to vector<1024x7x1xi32>
    %gather3A_325 = vector.shape_cast %reshape3A_324 : vector<1024x7x1xi32> to vector<1024x7xi32>
    %gather3A_326 = tpu.dynamic_gather %dot_general3A_316[%gather3A_325] in [1] : vector<1024x128xf32>, vector<1024x7xi32> -> vector<1024x7xf32>
    %slice3A_327 = vector.extract_strided_slice %slice3A {offsets = [1280, 0], sizes = [128, 128], strides = [1, 1]} : vector<2304x128xf32> to vector<128x128xf32>
    %dot_general3A_328 = arith.constant dense<0.000000e+00> : vector<1024x128xf32>
    %dot_general3A_329 = tpu.matmul %get3A_10, %slice3A_327, %dot_general3A_328 {dimension_numbers = #tpu.dot_dimension_numbers<[1], [1], [0], [0], [0, 0, 1, 0], [], []>, transpose_lhs_hint = false} : vector<1024x128xf32>, vector<128x128xf32>, vector<1024x128xf32> -> vector<1024x128xf32>
    %lt3A_330 = arith.constant 0 : i32
    %lt3A_331 = vector.broadcast %lt3A_330 : i32 to vector<1024x7xi32>
    %lt3A_332 = arith.cmpi slt, %convert_element_type3A_198, %lt3A_331 : vector<1024x7xi32>
    %add3A_333 = arith.constant 128 : i32
    %add3A_334 = vector.broadcast %add3A_333 : i32 to vector<1024x7xi32>
    %add3A_335 = arith.addi %convert_element_type3A_198, %add3A_334 : vector<1024x7xi32>
    %select_n3A_336 = arith.select %lt3A_332, %add3A_335, %convert_element_type3A_198 : vector<1024x7xi1>, vector<1024x7xi32>
    %reshape3A_337 = vector.shape_cast %select_n3A_336 : vector<1024x7xi32> to vector<1024x7x1xi32>
    %gather3A_338 = vector.shape_cast %reshape3A_337 : vector<1024x7x1xi32> to vector<1024x7xi32>
    %gather3A_339 = tpu.dynamic_gather %dot_general3A_329[%gather3A_338] in [1] : vector<1024x128xf32>, vector<1024x7xi32> -> vector<1024x7xf32>
    %slice3A_340 = vector.extract_strided_slice %slice3A {offsets = [1408, 0], sizes = [128, 128], strides = [1, 1]} : vector<2304x128xf32> to vector<128x128xf32>
    %dot_general3A_341 = arith.constant dense<0.000000e+00> : vector<1024x128xf32>
    %dot_general3A_342 = tpu.matmul %get3A_10, %slice3A_340, %dot_general3A_341 {dimension_numbers = #tpu.dot_dimension_numbers<[1], [1], [0], [0], [0, 0, 1, 0], [], []>, transpose_lhs_hint = false} : vector<1024x128xf32>, vector<128x128xf32>, vector<1024x128xf32> -> vector<1024x128xf32>
    %lt3A_343 = arith.constant 0 : i32
    %lt3A_344 = vector.broadcast %lt3A_343 : i32 to vector<1024x7xi32>
    %lt3A_345 = arith.cmpi slt, %convert_element_type3A_198, %lt3A_344 : vector<1024x7xi32>
    %add3A_346 = arith.constant 128 : i32
    %add3A_347 = vector.broadcast %add3A_346 : i32 to vector<1024x7xi32>
    %add3A_348 = arith.addi %convert_element_type3A_198, %add3A_347 : vector<1024x7xi32>
    %select_n3A_349 = arith.select %lt3A_345, %add3A_348, %convert_element_type3A_198 : vector<1024x7xi1>, vector<1024x7xi32>
    %reshape3A_350 = vector.shape_cast %select_n3A_349 : vector<1024x7xi32> to vector<1024x7x1xi32>
    %gather3A_351 = vector.shape_cast %reshape3A_350 : vector<1024x7x1xi32> to vector<1024x7xi32>
    %gather3A_352 = tpu.dynamic_gather %dot_general3A_342[%gather3A_351] in [1] : vector<1024x128xf32>, vector<1024x7xi32> -> vector<1024x7xf32>
    %slice3A_353 = vector.extract_strided_slice %slice3A {offsets = [1536, 0], sizes = [128, 128], strides = [1, 1]} : vector<2304x128xf32> to vector<128x128xf32>
    %dot_general3A_354 = arith.constant dense<0.000000e+00> : vector<1024x128xf32>
    %dot_general3A_355 = tpu.matmul %get3A_10, %slice3A_353, %dot_general3A_354 {dimension_numbers = #tpu.dot_dimension_numbers<[1], [1], [0], [0], [0, 0, 1, 0], [], []>, transpose_lhs_hint = false} : vector<1024x128xf32>, vector<128x128xf32>, vector<1024x128xf32> -> vector<1024x128xf32>
    %lt3A_356 = arith.constant 0 : i32
    %lt3A_357 = vector.broadcast %lt3A_356 : i32 to vector<1024x7xi32>
    %lt3A_358 = arith.cmpi slt, %convert_element_type3A_198, %lt3A_357 : vector<1024x7xi32>
    %add3A_359 = arith.constant 128 : i32
    %add3A_360 = vector.broadcast %add3A_359 : i32 to vector<1024x7xi32>
    %add3A_361 = arith.addi %convert_element_type3A_198, %add3A_360 : vector<1024x7xi32>
    %select_n3A_362 = arith.select %lt3A_358, %add3A_361, %convert_element_type3A_198 : vector<1024x7xi1>, vector<1024x7xi32>
    %reshape3A_363 = vector.shape_cast %select_n3A_362 : vector<1024x7xi32> to vector<1024x7x1xi32>
    %gather3A_364 = vector.shape_cast %reshape3A_363 : vector<1024x7x1xi32> to vector<1024x7xi32>
    %gather3A_365 = tpu.dynamic_gather %dot_general3A_355[%gather3A_364] in [1] : vector<1024x128xf32>, vector<1024x7xi32> -> vector<1024x7xf32>
    %slice3A_366 = vector.extract_strided_slice %slice3A {offsets = [1664, 0], sizes = [128, 128], strides = [1, 1]} : vector<2304x128xf32> to vector<128x128xf32>
    %dot_general3A_367 = arith.constant dense<0.000000e+00> : vector<1024x128xf32>
    %dot_general3A_368 = tpu.matmul %get3A_10, %slice3A_366, %dot_general3A_367 {dimension_numbers = #tpu.dot_dimension_numbers<[1], [1], [0], [0], [0, 0, 1, 0], [], []>, transpose_lhs_hint = false} : vector<1024x128xf32>, vector<128x128xf32>, vector<1024x128xf32> -> vector<1024x128xf32>
    %lt3A_369 = arith.constant 0 : i32
    %lt3A_370 = vector.broadcast %lt3A_369 : i32 to vector<1024x7xi32>
    %lt3A_371 = arith.cmpi slt, %convert_element_type3A_198, %lt3A_370 : vector<1024x7xi32>
    %add3A_372 = arith.constant 128 : i32
    %add3A_373 = vector.broadcast %add3A_372 : i32 to vector<1024x7xi32>
    %add3A_374 = arith.addi %convert_element_type3A_198, %add3A_373 : vector<1024x7xi32>
    %select_n3A_375 = arith.select %lt3A_371, %add3A_374, %convert_element_type3A_198 : vector<1024x7xi1>, vector<1024x7xi32>
    %reshape3A_376 = vector.shape_cast %select_n3A_375 : vector<1024x7xi32> to vector<1024x7x1xi32>
    %gather3A_377 = vector.shape_cast %reshape3A_376 : vector<1024x7x1xi32> to vector<1024x7xi32>
    %gather3A_378 = tpu.dynamic_gather %dot_general3A_368[%gather3A_377] in [1] : vector<1024x128xf32>, vector<1024x7xi32> -> vector<1024x7xf32>
    %slice3A_379 = vector.extract_strided_slice %slice3A {offsets = [1792, 0], sizes = [128, 128], strides = [1, 1]} : vector<2304x128xf32> to vector<128x128xf32>
    %dot_general3A_380 = arith.constant dense<0.000000e+00> : vector<1024x128xf32>
    %dot_general3A_381 = tpu.matmul %get3A_10, %slice3A_379, %dot_general3A_380 {dimension_numbers = #tpu.dot_dimension_numbers<[1], [1], [0], [0], [0, 0, 1, 0], [], []>, transpose_lhs_hint = false} : vector<1024x128xf32>, vector<128x128xf32>, vector<1024x128xf32> -> vector<1024x128xf32>
    %lt3A_382 = arith.constant 0 : i32
    %lt3A_383 = vector.broadcast %lt3A_382 : i32 to vector<1024x7xi32>
    %lt3A_384 = arith.cmpi slt, %convert_element_type3A_198, %lt3A_383 : vector<1024x7xi32>
    %add3A_385 = arith.constant 128 : i32
    %add3A_386 = vector.broadcast %add3A_385 : i32 to vector<1024x7xi32>
    %add3A_387 = arith.addi %convert_element_type3A_198, %add3A_386 : vector<1024x7xi32>
    %select_n3A_388 = arith.select %lt3A_384, %add3A_387, %convert_element_type3A_198 : vector<1024x7xi1>, vector<1024x7xi32>
    %reshape3A_389 = vector.shape_cast %select_n3A_388 : vector<1024x7xi32> to vector<1024x7x1xi32>
    %gather3A_390 = vector.shape_cast %reshape3A_389 : vector<1024x7x1xi32> to vector<1024x7xi32>
    %gather3A_391 = tpu.dynamic_gather %dot_general3A_381[%gather3A_390] in [1] : vector<1024x128xf32>, vector<1024x7xi32> -> vector<1024x7xf32>
    %slice3A_392 = vector.extract_strided_slice %slice3A {offsets = [1920, 0], sizes = [128, 128], strides = [1, 1]} : vector<2304x128xf32> to vector<128x128xf32>
    %dot_general3A_393 = arith.constant dense<0.000000e+00> : vector<1024x128xf32>
    %dot_general3A_394 = tpu.matmul %get3A_10, %slice3A_392, %dot_general3A_393 {dimension_numbers = #tpu.dot_dimension_numbers<[1], [1], [0], [0], [0, 0, 1, 0], [], []>, transpose_lhs_hint = false} : vector<1024x128xf32>, vector<128x128xf32>, vector<1024x128xf32> -> vector<1024x128xf32>
    %lt3A_395 = arith.constant 0 : i32
    %lt3A_396 = vector.broadcast %lt3A_395 : i32 to vector<1024x7xi32>
    %lt3A_397 = arith.cmpi slt, %convert_element_type3A_198, %lt3A_396 : vector<1024x7xi32>
    %add3A_398 = arith.constant 128 : i32
    %add3A_399 = vector.broadcast %add3A_398 : i32 to vector<1024x7xi32>
    %add3A_400 = arith.addi %convert_element_type3A_198, %add3A_399 : vector<1024x7xi32>
    %select_n3A_401 = arith.select %lt3A_397, %add3A_400, %convert_element_type3A_198 : vector<1024x7xi1>, vector<1024x7xi32>
    %reshape3A_402 = vector.shape_cast %select_n3A_401 : vector<1024x7xi32> to vector<1024x7x1xi32>
    %gather3A_403 = vector.shape_cast %reshape3A_402 : vector<1024x7x1xi32> to vector<1024x7xi32>
    %gather3A_404 = tpu.dynamic_gather %dot_general3A_394[%gather3A_403] in [1] : vector<1024x128xf32>, vector<1024x7xi32> -> vector<1024x7xf32>
    %slice3A_405 = vector.extract_strided_slice %slice3A {offsets = [2048, 0], sizes = [128, 128], strides = [1, 1]} : vector<2304x128xf32> to vector<128x128xf32>
    %dot_general3A_406 = arith.constant dense<0.000000e+00> : vector<1024x128xf32>
    %dot_general3A_407 = tpu.matmul %get3A_10, %slice3A_405, %dot_general3A_406 {dimension_numbers = #tpu.dot_dimension_numbers<[1], [1], [0], [0], [0, 0, 1, 0], [], []>, transpose_lhs_hint = false} : vector<1024x128xf32>, vector<128x128xf32>, vector<1024x128xf32> -> vector<1024x128xf32>
    %lt3A_408 = arith.constant 0 : i32
    %lt3A_409 = vector.broadcast %lt3A_408 : i32 to vector<1024x7xi32>
    %lt3A_410 = arith.cmpi slt, %convert_element_type3A_198, %lt3A_409 : vector<1024x7xi32>
    %add3A_411 = arith.constant 128 : i32
    %add3A_412 = vector.broadcast %add3A_411 : i32 to vector<1024x7xi32>
    %add3A_413 = arith.addi %convert_element_type3A_198, %add3A_412 : vector<1024x7xi32>
    %select_n3A_414 = arith.select %lt3A_410, %add3A_413, %convert_element_type3A_198 : vector<1024x7xi1>, vector<1024x7xi32>
    %reshape3A_415 = vector.shape_cast %select_n3A_414 : vector<1024x7xi32> to vector<1024x7x1xi32>
    %gather3A_416 = vector.shape_cast %reshape3A_415 : vector<1024x7x1xi32> to vector<1024x7xi32>
    %gather3A_417 = tpu.dynamic_gather %dot_general3A_407[%gather3A_416] in [1] : vector<1024x128xf32>, vector<1024x7xi32> -> vector<1024x7xf32>
    %slice3A_418 = vector.extract_strided_slice %slice3A {offsets = [2176, 0], sizes = [128, 128], strides = [1, 1]} : vector<2304x128xf32> to vector<128x128xf32>
    %dot_general3A_419 = arith.constant dense<0.000000e+00> : vector<1024x128xf32>
    %dot_general3A_420 = tpu.matmul %get3A_10, %slice3A_418, %dot_general3A_419 {dimension_numbers = #tpu.dot_dimension_numbers<[1], [1], [0], [0], [0, 0, 1, 0], [], []>, transpose_lhs_hint = false} : vector<1024x128xf32>, vector<128x128xf32>, vector<1024x128xf32> -> vector<1024x128xf32>
    %lt3A_421 = arith.constant 0 : i32
    %lt3A_422 = vector.broadcast %lt3A_421 : i32 to vector<1024x7xi32>
    %lt3A_423 = arith.cmpi slt, %convert_element_type3A_198, %lt3A_422 : vector<1024x7xi32>
    %add3A_424 = arith.constant 128 : i32
    %add3A_425 = vector.broadcast %add3A_424 : i32 to vector<1024x7xi32>
    %add3A_426 = arith.addi %convert_element_type3A_198, %add3A_425 : vector<1024x7xi32>
    %select_n3A_427 = arith.select %lt3A_423, %add3A_426, %convert_element_type3A_198 : vector<1024x7xi1>, vector<1024x7xi32>
    %reshape3A_428 = vector.shape_cast %select_n3A_427 : vector<1024x7xi32> to vector<1024x7x1xi32>
    %gather3A_429 = vector.shape_cast %reshape3A_428 : vector<1024x7x1xi32> to vector<1024x7xi32>
    %gather3A_430 = tpu.dynamic_gather %dot_general3A_420[%gather3A_429] in [1] : vector<1024x128xf32>, vector<1024x7xi32> -> vector<1024x7xf32>
    %concatenate3A_431 = tpu.concatenate %gather3A_209, %gather3A_222, %gather3A_235, %gather3A_248, %gather3A_261, %gather3A_274, %gather3A_287, %gather3A_300, %gather3A_313, %gather3A_326, %gather3A_339, %gather3A_352, %gather3A_365, %gather3A_378, %gather3A_391, %gather3A_404, %gather3A_417, %gather3A_430 in 1 : vector<1024x7xf32>, vector<1024x7xf32>, vector<1024x7xf32>, vector<1024x7xf32>, vector<1024x7xf32>, vector<1024x7xf32>, vector<1024x7xf32>, vector<1024x7xf32>, vector<1024x7xf32>, vector<1024x7xf32>, vector<1024x7xf32>, vector<1024x7xf32>, vector<1024x7xf32>, vector<1024x7xf32>, vector<1024x7xf32>, vector<1024x7xf32>, vector<1024x7xf32>, vector<1024x7xf32> -> vector<1024x126xf32>
    %iota3A_432 = tpu.iota {dimensions = array<i32: 1>} : vector<1x126xi32>
    %convert_element_type3A_433 = arith.sitofp %iota3A_432 : vector<1x126xi32> to vector<1x126xf32>
    %add3A_434 = arith.constant 4.000000e+00 : f32
    %add3A_435 = vector.broadcast %add3A_434 : f32 to vector<1024x126xf32>
    %add3A_436 = arith.addf %concatenate3A_431, %add3A_435 : vector<1024x126xf32>
    %mul3A_437 = arith.constant 8.192000e+03 : f32
    %mul3A_438 = vector.broadcast %mul3A_437 : f32 to vector<1024x126xf32>
    %mul3A_439 = arith.mulf %add3A_436, %mul3A_438 : vector<1024x126xf32>
    %floor3A_440 = math.floor %mul3A_439 : vector<1024x126xf32>
    %mul3A_441 = arith.constant 1.280000e+02 : f32
    %mul3A_442 = vector.broadcast %mul3A_441 : f32 to vector<1024x126xf32>
    %mul3A_443 = arith.mulf %floor3A_440, %mul3A_442 : vector<1024x126xf32>
    %add3A_444 = vector.broadcast %convert_element_type3A_433 : vector<1x126xf32> to vector<1024x126xf32>
    %add3A_445 = arith.addf %mul3A_443, %add3A_444 : vector<1024x126xf32>
    %transpose3A_446 = tpu.transpose %add3A_445, [1, 0] : vector<1024x126xf32> -> vector<126x1024xf32>
    %reduce_max3A_447 = arith.constant dense<0xFF800000> : vector<1024xf32>
    %reduce_max3A_448 = vector.multi_reduction <maximumf>, %transpose3A_446, %reduce_max3A_447 [0] : vector<126x1024xf32> to vector<1024xf32>
    %broadcast_in_dim3A_449 = vector.shape_cast %reduce_max3A_448 : vector<1024xf32> to vector<1x1024xf32>
    %mul3A_450 = arith.constant 7.812500e-03 : f32
    %mul3A_451 = vector.broadcast %mul3A_450 : f32 to vector<1x1024xf32>
    %mul3A_452 = arith.mulf %broadcast_in_dim3A_449, %mul3A_451 : vector<1x1024xf32>
    %floor3A_453 = math.floor %mul3A_452 : vector<1x1024xf32>
    %mul3A_454 = arith.constant 1.280000e+02 : f32
    %mul3A_455 = vector.broadcast %mul3A_454 : f32 to vector<1x1024xf32>
    %mul3A_456 = arith.mulf %floor3A_453, %mul3A_455 : vector<1x1024xf32>
    %sub3A_457 = arith.subf %broadcast_in_dim3A_449, %mul3A_456 : vector<1x1024xf32>
    %eq3A_458 = vector.broadcast %broadcast_in_dim3A_449 : vector<1x1024xf32> to vector<126x1024xf32>
    %eq3A_459 = arith.cmpf oeq, %transpose3A_446, %eq3A_458 : vector<126x1024xf32>
    %jit3A_460 = arith.constant -1.000000e+00 : f32
    %broadcast_in_dim3A_461 = vector.broadcast %jit3A_460 : f32 to vector<126x1024xf32>
    %select_n3A_462 = arith.select %eq3A_459, %broadcast_in_dim3A_461, %transpose3A_446 : vector<126x1024xi1>, vector<126x1024xf32>
    %reduce_max3A_463 = arith.constant dense<0xFF800000> : vector<1024xf32>
    %reduce_max3A_464 = vector.multi_reduction <maximumf>, %select_n3A_462, %reduce_max3A_463 [0] : vector<126x1024xf32> to vector<1024xf32>
    %broadcast_in_dim3A_465 = vector.shape_cast %reduce_max3A_464 : vector<1024xf32> to vector<1x1024xf32>
    %mul3A_466 = arith.constant 7.812500e-03 : f32
    %mul3A_467 = vector.broadcast %mul3A_466 : f32 to vector<1x1024xf32>
    %mul3A_468 = arith.mulf %broadcast_in_dim3A_465, %mul3A_467 : vector<1x1024xf32>
    %floor3A_469 = math.floor %mul3A_468 : vector<1x1024xf32>
    %mul3A_470 = arith.constant 1.280000e+02 : f32
    %mul3A_471 = vector.broadcast %mul3A_470 : f32 to vector<1x1024xf32>
    %mul3A_472 = arith.mulf %floor3A_469, %mul3A_471 : vector<1x1024xf32>
    %sub3A_473 = arith.subf %broadcast_in_dim3A_465, %mul3A_472 : vector<1x1024xf32>
    %eq3A_474 = vector.broadcast %broadcast_in_dim3A_465 : vector<1x1024xf32> to vector<126x1024xf32>
    %eq3A_475 = arith.cmpf oeq, %select_n3A_462, %eq3A_474 : vector<126x1024xf32>
    %jit3A_476 = arith.constant -1.000000e+00 : f32
    %broadcast_in_dim3A_477 = vector.broadcast %jit3A_476 : f32 to vector<126x1024xf32>
    %select_n3A_478 = arith.select %eq3A_475, %broadcast_in_dim3A_477, %select_n3A_462 : vector<126x1024xi1>, vector<126x1024xf32>
    %reduce_max3A_479 = arith.constant dense<0xFF800000> : vector<1024xf32>
    %reduce_max3A_480 = vector.multi_reduction <maximumf>, %select_n3A_478, %reduce_max3A_479 [0] : vector<126x1024xf32> to vector<1024xf32>
    %broadcast_in_dim3A_481 = vector.shape_cast %reduce_max3A_480 : vector<1024xf32> to vector<1x1024xf32>
    %mul3A_482 = arith.constant 7.812500e-03 : f32
    %mul3A_483 = vector.broadcast %mul3A_482 : f32 to vector<1x1024xf32>
    %mul3A_484 = arith.mulf %broadcast_in_dim3A_481, %mul3A_483 : vector<1x1024xf32>
    %floor3A_485 = math.floor %mul3A_484 : vector<1x1024xf32>
    %mul3A_486 = arith.constant 1.280000e+02 : f32
    %mul3A_487 = vector.broadcast %mul3A_486 : f32 to vector<1x1024xf32>
    %mul3A_488 = arith.mulf %floor3A_485, %mul3A_487 : vector<1x1024xf32>
    %sub3A_489 = arith.subf %broadcast_in_dim3A_481, %mul3A_488 : vector<1x1024xf32>
    %eq3A_490 = vector.broadcast %broadcast_in_dim3A_481 : vector<1x1024xf32> to vector<126x1024xf32>
    %eq3A_491 = arith.cmpf oeq, %select_n3A_478, %eq3A_490 : vector<126x1024xf32>
    %jit3A_492 = arith.constant -1.000000e+00 : f32
    %broadcast_in_dim3A_493 = vector.broadcast %jit3A_492 : f32 to vector<126x1024xf32>
    %select_n3A_494 = arith.select %eq3A_491, %broadcast_in_dim3A_493, %select_n3A_478 : vector<126x1024xi1>, vector<126x1024xf32>
    %reduce_max3A_495 = arith.constant dense<0xFF800000> : vector<1024xf32>
    %reduce_max3A_496 = vector.multi_reduction <maximumf>, %select_n3A_494, %reduce_max3A_495 [0] : vector<126x1024xf32> to vector<1024xf32>
    %broadcast_in_dim3A_497 = vector.shape_cast %reduce_max3A_496 : vector<1024xf32> to vector<1x1024xf32>
    %mul3A_498 = arith.constant 7.812500e-03 : f32
    %mul3A_499 = vector.broadcast %mul3A_498 : f32 to vector<1x1024xf32>
    %mul3A_500 = arith.mulf %broadcast_in_dim3A_497, %mul3A_499 : vector<1x1024xf32>
    %floor3A_501 = math.floor %mul3A_500 : vector<1x1024xf32>
    %mul3A_502 = arith.constant 1.280000e+02 : f32
    %mul3A_503 = vector.broadcast %mul3A_502 : f32 to vector<1x1024xf32>
    %mul3A_504 = arith.mulf %floor3A_501, %mul3A_503 : vector<1x1024xf32>
    %sub3A_505 = arith.subf %broadcast_in_dim3A_497, %mul3A_504 : vector<1x1024xf32>
    %eq3A_506 = vector.broadcast %broadcast_in_dim3A_497 : vector<1x1024xf32> to vector<126x1024xf32>
    %eq3A_507 = arith.cmpf oeq, %select_n3A_494, %eq3A_506 : vector<126x1024xf32>
    %jit3A_508 = arith.constant -1.000000e+00 : f32
    %broadcast_in_dim3A_509 = vector.broadcast %jit3A_508 : f32 to vector<126x1024xf32>
    %select_n3A_510 = arith.select %eq3A_507, %broadcast_in_dim3A_509, %select_n3A_494 : vector<126x1024xi1>, vector<126x1024xf32>
    %reduce_max3A_511 = arith.constant dense<0xFF800000> : vector<1024xf32>
    %reduce_max3A_512 = vector.multi_reduction <maximumf>, %select_n3A_510, %reduce_max3A_511 [0] : vector<126x1024xf32> to vector<1024xf32>
    %broadcast_in_dim3A_513 = vector.shape_cast %reduce_max3A_512 : vector<1024xf32> to vector<1x1024xf32>
    %mul3A_514 = arith.constant 7.812500e-03 : f32
    %mul3A_515 = vector.broadcast %mul3A_514 : f32 to vector<1x1024xf32>
    %mul3A_516 = arith.mulf %broadcast_in_dim3A_513, %mul3A_515 : vector<1x1024xf32>
    %floor3A_517 = math.floor %mul3A_516 : vector<1x1024xf32>
    %mul3A_518 = arith.constant 1.280000e+02 : f32
    %mul3A_519 = vector.broadcast %mul3A_518 : f32 to vector<1x1024xf32>
    %mul3A_520 = arith.mulf %floor3A_517, %mul3A_519 : vector<1x1024xf32>
    %sub3A_521 = arith.subf %broadcast_in_dim3A_513, %mul3A_520 : vector<1x1024xf32>
    %eq3A_522 = vector.broadcast %broadcast_in_dim3A_513 : vector<1x1024xf32> to vector<126x1024xf32>
    %eq3A_523 = arith.cmpf oeq, %select_n3A_510, %eq3A_522 : vector<126x1024xf32>
    %jit3A_524 = arith.constant -1.000000e+00 : f32
    %broadcast_in_dim3A_525 = vector.broadcast %jit3A_524 : f32 to vector<126x1024xf32>
    %select_n3A_526 = arith.select %eq3A_523, %broadcast_in_dim3A_525, %select_n3A_510 : vector<126x1024xi1>, vector<126x1024xf32>
    %reduce_max3A_527 = arith.constant dense<0xFF800000> : vector<1024xf32>
    %reduce_max3A_528 = vector.multi_reduction <maximumf>, %select_n3A_526, %reduce_max3A_527 [0] : vector<126x1024xf32> to vector<1024xf32>
    %broadcast_in_dim3A_529 = vector.shape_cast %reduce_max3A_528 : vector<1024xf32> to vector<1x1024xf32>
    %mul3A_530 = arith.constant 7.812500e-03 : f32
    %mul3A_531 = vector.broadcast %mul3A_530 : f32 to vector<1x1024xf32>
    %mul3A_532 = arith.mulf %broadcast_in_dim3A_529, %mul3A_531 : vector<1x1024xf32>
    %floor3A_533 = math.floor %mul3A_532 : vector<1x1024xf32>
    %mul3A_534 = arith.constant 1.280000e+02 : f32
    %mul3A_535 = vector.broadcast %mul3A_534 : f32 to vector<1x1024xf32>
    %mul3A_536 = arith.mulf %floor3A_533, %mul3A_535 : vector<1x1024xf32>
    %sub3A_537 = arith.subf %broadcast_in_dim3A_529, %mul3A_536 : vector<1x1024xf32>
    %eq3A_538 = vector.broadcast %broadcast_in_dim3A_529 : vector<1x1024xf32> to vector<126x1024xf32>
    %eq3A_539 = arith.cmpf oeq, %select_n3A_526, %eq3A_538 : vector<126x1024xf32>
    %jit3A_540 = arith.constant -1.000000e+00 : f32
    %broadcast_in_dim3A_541 = vector.broadcast %jit3A_540 : f32 to vector<126x1024xf32>
    %select_n3A_542 = arith.select %eq3A_539, %broadcast_in_dim3A_541, %select_n3A_526 : vector<126x1024xi1>, vector<126x1024xf32>
    %reduce_max3A_543 = arith.constant dense<0xFF800000> : vector<1024xf32>
    %reduce_max3A_544 = vector.multi_reduction <maximumf>, %select_n3A_542, %reduce_max3A_543 [0] : vector<126x1024xf32> to vector<1024xf32>
    %broadcast_in_dim3A_545 = vector.shape_cast %reduce_max3A_544 : vector<1024xf32> to vector<1x1024xf32>
    %mul3A_546 = arith.constant 7.812500e-03 : f32
    %mul3A_547 = vector.broadcast %mul3A_546 : f32 to vector<1x1024xf32>
    %mul3A_548 = arith.mulf %broadcast_in_dim3A_545, %mul3A_547 : vector<1x1024xf32>
    %floor3A_549 = math.floor %mul3A_548 : vector<1x1024xf32>
    %mul3A_550 = arith.constant 1.280000e+02 : f32
    %mul3A_551 = vector.broadcast %mul3A_550 : f32 to vector<1x1024xf32>
    %mul3A_552 = arith.mulf %floor3A_549, %mul3A_551 : vector<1x1024xf32>
    %sub3A_553 = arith.subf %broadcast_in_dim3A_545, %mul3A_552 : vector<1x1024xf32>
    %concatenate3A_554 = tpu.concatenate %sub3A_457, %sub3A_473, %sub3A_489, %sub3A_505, %sub3A_521, %sub3A_537, %sub3A_553 in 0 : vector<1x1024xf32>, vector<1x1024xf32>, vector<1x1024xf32>, vector<1x1024xf32>, vector<1x1024xf32>, vector<1x1024xf32>, vector<1x1024xf32> -> vector<7x1024xf32>
    %transpose3A_555 = tpu.transpose %concatenate3A_554, [1, 0] : vector<7x1024xf32> -> vector<1024x7xf32>
    %convert_element_type3A_556 = arith.fptosi %transpose3A_555 : vector<1024x7xf32> to vector<1024x7xi32>
    %mul3A_557 = arith.constant 9363 : i32
    %mul3A_558 = vector.broadcast %mul3A_557 : i32 to vector<1024x7xi32>
    %mul3A_559 = arith.muli %convert_element_type3A_556, %mul3A_558 : vector<1024x7xi32>
    %shift_right_arithmetic3A = arith.constant 16 : i32
    %shift_right_arithmetic3A_560 = vector.broadcast %shift_right_arithmetic3A : i32 to vector<1024x7xi32>
    %shift_right_arithmetic3A_561 = arith.shrsi %mul3A_559, %shift_right_arithmetic3A_560 : vector<1024x7xi32>
    %lt3A_562 = arith.constant 0 : i32
    %lt3A_563 = vector.broadcast %lt3A_562 : i32 to vector<1024x7xi32>
    %lt3A_564 = arith.cmpi slt, %convert_element_type3A_556, %lt3A_563 : vector<1024x7xi32>
    %add3A_565 = arith.constant 126 : i32
    %add3A_566 = vector.broadcast %add3A_565 : i32 to vector<1024x7xi32>
    %add3A_567 = arith.addi %convert_element_type3A_556, %add3A_566 : vector<1024x7xi32>
    %select_n3A_568 = arith.select %lt3A_564, %add3A_567, %convert_element_type3A_556 : vector<1024x7xi1>, vector<1024x7xi32>
    %reshape3A_569 = vector.shape_cast %select_n3A_568 : vector<1024x7xi32> to vector<1024x7x1xi32>
    %gather3A_570 = vector.shape_cast %reshape3A_569 : vector<1024x7x1xi32> to vector<1024x7xi32>
    %gather3A_571 = tpu.dynamic_gather %concatenate3A_431[%gather3A_570] in [1] : vector<1024x126xf32>, vector<1024x7xi32> -> vector<1024x7xf32>
    %mul3A_572 = arith.constant 7 : i32
    %mul3A_573 = vector.broadcast %mul3A_572 : i32 to vector<1024x7xi32>
    %mul3A_574 = arith.muli %shift_right_arithmetic3A_561, %mul3A_573 : vector<1024x7xi32>
    %sub3A_575 = arith.subi %convert_element_type3A_556, %mul3A_574 : vector<1024x7xi32>
    %lt3A_576 = arith.constant 0 : i32
    %lt3A_577 = vector.broadcast %lt3A_576 : i32 to vector<1024x7xi32>
    %lt3A_578 = arith.cmpi slt, %sub3A_575, %lt3A_577 : vector<1024x7xi32>
    %add3A_579 = arith.constant 7 : i32
    %add3A_580 = vector.broadcast %add3A_579 : i32 to vector<1024x7xi32>
    %add3A_581 = arith.addi %sub3A_575, %add3A_580 : vector<1024x7xi32>
    %select_n3A_582 = arith.select %lt3A_578, %add3A_581, %sub3A_575 : vector<1024x7xi1>, vector<1024x7xi32>
    %reshape3A_583 = vector.shape_cast %select_n3A_582 : vector<1024x7xi32> to vector<1024x7x1xi32>
    %gather3A_584 = vector.shape_cast %reshape3A_583 : vector<1024x7x1xi32> to vector<1024x7xi32>
    %gather3A_585 = tpu.dynamic_gather %convert_element_type3A_198[%gather3A_584] in [1] : vector<1024x7xi32>, vector<1024x7xi32> -> vector<1024x7xi32>
    %mul3A_586 = arith.constant 128 : i32
    %mul3A_587 = vector.broadcast %mul3A_586 : i32 to vector<1024x7xi32>
    %mul3A_588 = arith.muli %shift_right_arithmetic3A_561, %mul3A_587 : vector<1024x7xi32>
    %add3A_589 = vector.broadcast %mul3A_12 : i32 to vector<1024x7xi32>
    %add3A_590 = arith.addi %add3A_589, %mul3A_588 : vector<1024x7xi32>
    %add3A_591 = arith.addi %add3A_590, %gather3A_585 : vector<1024x7xi32>
    %slice3A_592 = vector.extract_strided_slice %select_n3A {offsets = [2304, 0], sizes = [2304, 128], strides = [1, 1]} : vector<4608x128xf32> to vector<2304x128xf32>
    %mul3A_593 = arith.constant 4608 : i32
    %mul3A_594 = arith.muli %arg0, %mul3A_593 : i32
    %add3A_595 = arith.constant 2304 : i32
    %add3A_596 = arith.addi %mul3A_594, %add3A_595 : i32
    %slice3A_597 = vector.extract_strided_slice %slice3A_592 {offsets = [0, 0], sizes = [128, 128], strides = [1, 1]} : vector<2304x128xf32> to vector<128x128xf32>
    %dot_general3A_598 = arith.constant dense<0.000000e+00> : vector<128x1024xf32>
    %dot_general3A_599 = tpu.matmul %slice3A_597, %get3A_10, %dot_general3A_598 {dimension_numbers = #tpu.dot_dimension_numbers<[1], [1], [0], [0], [0, 0, 1, 0], [], []>, transpose_lhs_hint = false} : vector<128x128xf32>, vector<1024x128xf32>, vector<128x1024xf32> -> vector<128x1024xf32>
    %slice3A_600 = vector.extract_strided_slice %slice3A_592 {offsets = [128, 0], sizes = [128, 128], strides = [1, 1]} : vector<2304x128xf32> to vector<128x128xf32>
    %dot_general3A_601 = arith.constant dense<0.000000e+00> : vector<128x1024xf32>
    %dot_general3A_602 = tpu.matmul %slice3A_600, %get3A_10, %dot_general3A_601 {dimension_numbers = #tpu.dot_dimension_numbers<[1], [1], [0], [0], [0, 0, 1, 0], [], []>, transpose_lhs_hint = false} : vector<128x128xf32>, vector<1024x128xf32>, vector<128x1024xf32> -> vector<128x1024xf32>
    %max3A_603 = arith.maximumf %dot_general3A_599, %dot_general3A_602 : vector<128x1024xf32>
    %slice3A_604 = vector.extract_strided_slice %slice3A_592 {offsets = [256, 0], sizes = [128, 128], strides = [1, 1]} : vector<2304x128xf32> to vector<128x128xf32>
    %dot_general3A_605 = arith.constant dense<0.000000e+00> : vector<128x1024xf32>
    %dot_general3A_606 = tpu.matmul %slice3A_604, %get3A_10, %dot_general3A_605 {dimension_numbers = #tpu.dot_dimension_numbers<[1], [1], [0], [0], [0, 0, 1, 0], [], []>, transpose_lhs_hint = false} : vector<128x128xf32>, vector<1024x128xf32>, vector<128x1024xf32> -> vector<128x1024xf32>
    %max3A_607 = arith.maximumf %max3A_603, %dot_general3A_606 : vector<128x1024xf32>
    %slice3A_608 = vector.extract_strided_slice %slice3A_592 {offsets = [384, 0], sizes = [128, 128], strides = [1, 1]} : vector<2304x128xf32> to vector<128x128xf32>
    %dot_general3A_609 = arith.constant dense<0.000000e+00> : vector<128x1024xf32>
    %dot_general3A_610 = tpu.matmul %slice3A_608, %get3A_10, %dot_general3A_609 {dimension_numbers = #tpu.dot_dimension_numbers<[1], [1], [0], [0], [0, 0, 1, 0], [], []>, transpose_lhs_hint = false} : vector<128x128xf32>, vector<1024x128xf32>, vector<128x1024xf32> -> vector<128x1024xf32>
    %max3A_611 = arith.maximumf %max3A_607, %dot_general3A_610 : vector<128x1024xf32>
    %slice3A_612 = vector.extract_strided_slice %slice3A_592 {offsets = [512, 0], sizes = [128, 128], strides = [1, 1]} : vector<2304x128xf32> to vector<128x128xf32>
    %dot_general3A_613 = arith.constant dense<0.000000e+00> : vector<128x1024xf32>
    %dot_general3A_614 = tpu.matmul %slice3A_612, %get3A_10, %dot_general3A_613 {dimension_numbers = #tpu.dot_dimension_numbers<[1], [1], [0], [0], [0, 0, 1, 0], [], []>, transpose_lhs_hint = false} : vector<128x128xf32>, vector<1024x128xf32>, vector<128x1024xf32> -> vector<128x1024xf32>
    %max3A_615 = arith.maximumf %max3A_611, %dot_general3A_614 : vector<128x1024xf32>
    %slice3A_616 = vector.extract_strided_slice %slice3A_592 {offsets = [640, 0], sizes = [128, 128], strides = [1, 1]} : vector<2304x128xf32> to vector<128x128xf32>
    %dot_general3A_617 = arith.constant dense<0.000000e+00> : vector<128x1024xf32>
    %dot_general3A_618 = tpu.matmul %slice3A_616, %get3A_10, %dot_general3A_617 {dimension_numbers = #tpu.dot_dimension_numbers<[1], [1], [0], [0], [0, 0, 1, 0], [], []>, transpose_lhs_hint = false} : vector<128x128xf32>, vector<1024x128xf32>, vector<128x1024xf32> -> vector<128x1024xf32>
    %max3A_619 = arith.maximumf %max3A_615, %dot_general3A_618 : vector<128x1024xf32>
    %slice3A_620 = vector.extract_strided_slice %slice3A_592 {offsets = [768, 0], sizes = [128, 128], strides = [1, 1]} : vector<2304x128xf32> to vector<128x128xf32>
    %dot_general3A_621 = arith.constant dense<0.000000e+00> : vector<128x1024xf32>
    %dot_general3A_622 = tpu.matmul %slice3A_620, %get3A_10, %dot_general3A_621 {dimension_numbers = #tpu.dot_dimension_numbers<[1], [1], [0], [0], [0, 0, 1, 0], [], []>, transpose_lhs_hint = false} : vector<128x128xf32>, vector<1024x128xf32>, vector<128x1024xf32> -> vector<128x1024xf32>
    %max3A_623 = arith.maximumf %max3A_619, %dot_general3A_622 : vector<128x1024xf32>
    %slice3A_624 = vector.extract_strided_slice %slice3A_592 {offsets = [896, 0], sizes = [128, 128], strides = [1, 1]} : vector<2304x128xf32> to vector<128x128xf32>
    %dot_general3A_625 = arith.constant dense<0.000000e+00> : vector<128x1024xf32>
    %dot_general3A_626 = tpu.matmul %slice3A_624, %get3A_10, %dot_general3A_625 {dimension_numbers = #tpu.dot_dimension_numbers<[1], [1], [0], [0], [0, 0, 1, 0], [], []>, transpose_lhs_hint = false} : vector<128x128xf32>, vector<1024x128xf32>, vector<128x1024xf32> -> vector<128x1024xf32>
    %max3A_627 = arith.maximumf %max3A_623, %dot_general3A_626 : vector<128x1024xf32>
    %slice3A_628 = vector.extract_strided_slice %slice3A_592 {offsets = [1024, 0], sizes = [128, 128], strides = [1, 1]} : vector<2304x128xf32> to vector<128x128xf32>
    %dot_general3A_629 = arith.constant dense<0.000000e+00> : vector<128x1024xf32>
    %dot_general3A_630 = tpu.matmul %slice3A_628, %get3A_10, %dot_general3A_629 {dimension_numbers = #tpu.dot_dimension_numbers<[1], [1], [0], [0], [0, 0, 1, 0], [], []>, transpose_lhs_hint = false} : vector<128x128xf32>, vector<1024x128xf32>, vector<128x1024xf32> -> vector<128x1024xf32>
    %max3A_631 = arith.maximumf %max3A_627, %dot_general3A_630 : vector<128x1024xf32>
    %slice3A_632 = vector.extract_strided_slice %slice3A_592 {offsets = [1152, 0], sizes = [128, 128], strides = [1, 1]} : vector<2304x128xf32> to vector<128x128xf32>
    %dot_general3A_633 = arith.constant dense<0.000000e+00> : vector<128x1024xf32>
    %dot_general3A_634 = tpu.matmul %slice3A_632, %get3A_10, %dot_general3A_633 {dimension_numbers = #tpu.dot_dimension_numbers<[1], [1], [0], [0], [0, 0, 1, 0], [], []>, transpose_lhs_hint = false} : vector<128x128xf32>, vector<1024x128xf32>, vector<128x1024xf32> -> vector<128x1024xf32>
    %max3A_635 = arith.maximumf %max3A_631, %dot_general3A_634 : vector<128x1024xf32>
    %slice3A_636 = vector.extract_strided_slice %slice3A_592 {offsets = [1280, 0], sizes = [128, 128], strides = [1, 1]} : vector<2304x128xf32> to vector<128x128xf32>
    %dot_general3A_637 = arith.constant dense<0.000000e+00> : vector<128x1024xf32>
    %dot_general3A_638 = tpu.matmul %slice3A_636, %get3A_10, %dot_general3A_637 {dimension_numbers = #tpu.dot_dimension_numbers<[1], [1], [0], [0], [0, 0, 1, 0], [], []>, transpose_lhs_hint = false} : vector<128x128xf32>, vector<1024x128xf32>, vector<128x1024xf32> -> vector<128x1024xf32>
    %max3A_639 = arith.maximumf %max3A_635, %dot_general3A_638 : vector<128x1024xf32>
    %slice3A_640 = vector.extract_strided_slice %slice3A_592 {offsets = [1408, 0], sizes = [128, 128], strides = [1, 1]} : vector<2304x128xf32> to vector<128x128xf32>
    %dot_general3A_641 = arith.constant dense<0.000000e+00> : vector<128x1024xf32>
    %dot_general3A_642 = tpu.matmul %slice3A_640, %get3A_10, %dot_general3A_641 {dimension_numbers = #tpu.dot_dimension_numbers<[1], [1], [0], [0], [0, 0, 1, 0], [], []>, transpose_lhs_hint = false} : vector<128x128xf32>, vector<1024x128xf32>, vector<128x1024xf32> -> vector<128x1024xf32>
    %max3A_643 = arith.maximumf %max3A_639, %dot_general3A_642 : vector<128x1024xf32>
    %slice3A_644 = vector.extract_strided_slice %slice3A_592 {offsets = [1536, 0], sizes = [128, 128], strides = [1, 1]} : vector<2304x128xf32> to vector<128x128xf32>
    %dot_general3A_645 = arith.constant dense<0.000000e+00> : vector<128x1024xf32>
    %dot_general3A_646 = tpu.matmul %slice3A_644, %get3A_10, %dot_general3A_645 {dimension_numbers = #tpu.dot_dimension_numbers<[1], [1], [0], [0], [0, 0, 1, 0], [], []>, transpose_lhs_hint = false} : vector<128x128xf32>, vector<1024x128xf32>, vector<128x1024xf32> -> vector<128x1024xf32>
    %max3A_647 = arith.maximumf %max3A_643, %dot_general3A_646 : vector<128x1024xf32>
    %slice3A_648 = vector.extract_strided_slice %slice3A_592 {offsets = [1664, 0], sizes = [128, 128], strides = [1, 1]} : vector<2304x128xf32> to vector<128x128xf32>
    %dot_general3A_649 = arith.constant dense<0.000000e+00> : vector<128x1024xf32>
    %dot_general3A_650 = tpu.matmul %slice3A_648, %get3A_10, %dot_general3A_649 {dimension_numbers = #tpu.dot_dimension_numbers<[1], [1], [0], [0], [0, 0, 1, 0], [], []>, transpose_lhs_hint = false} : vector<128x128xf32>, vector<1024x128xf32>, vector<128x1024xf32> -> vector<128x1024xf32>
    %max3A_651 = arith.maximumf %max3A_647, %dot_general3A_650 : vector<128x1024xf32>
    %slice3A_652 = vector.extract_strided_slice %slice3A_592 {offsets = [1792, 0], sizes = [128, 128], strides = [1, 1]} : vector<2304x128xf32> to vector<128x128xf32>
    %dot_general3A_653 = arith.constant dense<0.000000e+00> : vector<128x1024xf32>
    %dot_general3A_654 = tpu.matmul %slice3A_652, %get3A_10, %dot_general3A_653 {dimension_numbers = #tpu.dot_dimension_numbers<[1], [1], [0], [0], [0, 0, 1, 0], [], []>, transpose_lhs_hint = false} : vector<128x128xf32>, vector<1024x128xf32>, vector<128x1024xf32> -> vector<128x1024xf32>
    %max3A_655 = arith.maximumf %max3A_651, %dot_general3A_654 : vector<128x1024xf32>
    %slice3A_656 = vector.extract_strided_slice %slice3A_592 {offsets = [1920, 0], sizes = [128, 128], strides = [1, 1]} : vector<2304x128xf32> to vector<128x128xf32>
    %dot_general3A_657 = arith.constant dense<0.000000e+00> : vector<128x1024xf32>
    %dot_general3A_658 = tpu.matmul %slice3A_656, %get3A_10, %dot_general3A_657 {dimension_numbers = #tpu.dot_dimension_numbers<[1], [1], [0], [0], [0, 0, 1, 0], [], []>, transpose_lhs_hint = false} : vector<128x128xf32>, vector<1024x128xf32>, vector<128x1024xf32> -> vector<128x1024xf32>
    %max3A_659 = arith.maximumf %max3A_655, %dot_general3A_658 : vector<128x1024xf32>
    %slice3A_660 = vector.extract_strided_slice %slice3A_592 {offsets = [2048, 0], sizes = [128, 128], strides = [1, 1]} : vector<2304x128xf32> to vector<128x128xf32>
    %dot_general3A_661 = arith.constant dense<0.000000e+00> : vector<128x1024xf32>
    %dot_general3A_662 = tpu.matmul %slice3A_660, %get3A_10, %dot_general3A_661 {dimension_numbers = #tpu.dot_dimension_numbers<[1], [1], [0], [0], [0, 0, 1, 0], [], []>, transpose_lhs_hint = false} : vector<128x128xf32>, vector<1024x128xf32>, vector<128x1024xf32> -> vector<128x1024xf32>
    %max3A_663 = arith.maximumf %max3A_659, %dot_general3A_662 : vector<128x1024xf32>
    %slice3A_664 = vector.extract_strided_slice %slice3A_592 {offsets = [2176, 0], sizes = [128, 128], strides = [1, 1]} : vector<2304x128xf32> to vector<128x128xf32>
    %dot_general3A_665 = arith.constant dense<0.000000e+00> : vector<128x1024xf32>
    %dot_general3A_666 = tpu.matmul %slice3A_664, %get3A_10, %dot_general3A_665 {dimension_numbers = #tpu.dot_dimension_numbers<[1], [1], [0], [0], [0, 0, 1, 0], [], []>, transpose_lhs_hint = false} : vector<128x128xf32>, vector<1024x128xf32>, vector<128x1024xf32> -> vector<128x1024xf32>
    %max3A_667 = arith.maximumf %max3A_663, %dot_general3A_666 : vector<128x1024xf32>
    %iota3A_668 = tpu.iota {dimensions = array<i32: 0>} : vector<128x1xi32>
    %convert_element_type3A_669 = arith.sitofp %iota3A_668 : vector<128x1xi32> to vector<128x1xf32>
    %add3A_670 = arith.constant 4.000000e+00 : f32
    %add3A_671 = vector.broadcast %add3A_670 : f32 to vector<128x1024xf32>
    %add3A_672 = arith.addf %max3A_667, %add3A_671 : vector<128x1024xf32>
    %mul3A_673 = arith.constant 8.192000e+03 : f32
    %mul3A_674 = vector.broadcast %mul3A_673 : f32 to vector<128x1024xf32>
    %mul3A_675 = arith.mulf %add3A_672, %mul3A_674 : vector<128x1024xf32>
    %floor3A_676 = math.floor %mul3A_675 : vector<128x1024xf32>
    %mul3A_677 = arith.constant 1.280000e+02 : f32
    %mul3A_678 = vector.broadcast %mul3A_677 : f32 to vector<128x1024xf32>
    %mul3A_679 = arith.mulf %floor3A_676, %mul3A_678 : vector<128x1024xf32>
    %add3A_680 = vector.broadcast %convert_element_type3A_669 : vector<128x1xf32> to vector<128x1024xf32>
    %add3A_681 = arith.addf %mul3A_679, %add3A_680 : vector<128x1024xf32>
    %reduce_max3A_682 = arith.constant dense<0xFF800000> : vector<1024xf32>
    %reduce_max3A_683 = vector.multi_reduction <maximumf>, %add3A_681, %reduce_max3A_682 [0] : vector<128x1024xf32> to vector<1024xf32>
    %broadcast_in_dim3A_684 = vector.shape_cast %reduce_max3A_683 : vector<1024xf32> to vector<1x1024xf32>
    %mul3A_685 = arith.constant 7.812500e-03 : f32
    %mul3A_686 = vector.broadcast %mul3A_685 : f32 to vector<1x1024xf32>
    %mul3A_687 = arith.mulf %broadcast_in_dim3A_684, %mul3A_686 : vector<1x1024xf32>
    %floor3A_688 = math.floor %mul3A_687 : vector<1x1024xf32>
    %mul3A_689 = arith.constant 1.280000e+02 : f32
    %mul3A_690 = vector.broadcast %mul3A_689 : f32 to vector<1x1024xf32>
    %mul3A_691 = arith.mulf %floor3A_688, %mul3A_690 : vector<1x1024xf32>
    %sub3A_692 = arith.subf %broadcast_in_dim3A_684, %mul3A_691 : vector<1x1024xf32>
    %eq3A_693 = vector.broadcast %broadcast_in_dim3A_684 : vector<1x1024xf32> to vector<128x1024xf32>
    %eq3A_694 = arith.cmpf oeq, %add3A_681, %eq3A_693 : vector<128x1024xf32>
    %jit3A_695 = arith.constant -1.000000e+00 : f32
    %broadcast_in_dim3A_696 = vector.broadcast %jit3A_695 : f32 to vector<128x1024xf32>
    %select_n3A_697 = arith.select %eq3A_694, %broadcast_in_dim3A_696, %add3A_681 : vector<128x1024xi1>, vector<128x1024xf32>
    %reduce_max3A_698 = arith.constant dense<0xFF800000> : vector<1024xf32>
    %reduce_max3A_699 = vector.multi_reduction <maximumf>, %select_n3A_697, %reduce_max3A_698 [0] : vector<128x1024xf32> to vector<1024xf32>
    %broadcast_in_dim3A_700 = vector.shape_cast %reduce_max3A_699 : vector<1024xf32> to vector<1x1024xf32>
    %mul3A_701 = arith.constant 7.812500e-03 : f32
    %mul3A_702 = vector.broadcast %mul3A_701 : f32 to vector<1x1024xf32>
    %mul3A_703 = arith.mulf %broadcast_in_dim3A_700, %mul3A_702 : vector<1x1024xf32>
    %floor3A_704 = math.floor %mul3A_703 : vector<1x1024xf32>
    %mul3A_705 = arith.constant 1.280000e+02 : f32
    %mul3A_706 = vector.broadcast %mul3A_705 : f32 to vector<1x1024xf32>
    %mul3A_707 = arith.mulf %floor3A_704, %mul3A_706 : vector<1x1024xf32>
    %sub3A_708 = arith.subf %broadcast_in_dim3A_700, %mul3A_707 : vector<1x1024xf32>
    %eq3A_709 = vector.broadcast %broadcast_in_dim3A_700 : vector<1x1024xf32> to vector<128x1024xf32>
    %eq3A_710 = arith.cmpf oeq, %select_n3A_697, %eq3A_709 : vector<128x1024xf32>
    %jit3A_711 = arith.constant -1.000000e+00 : f32
    %broadcast_in_dim3A_712 = vector.broadcast %jit3A_711 : f32 to vector<128x1024xf32>
    %select_n3A_713 = arith.select %eq3A_710, %broadcast_in_dim3A_712, %select_n3A_697 : vector<128x1024xi1>, vector<128x1024xf32>
    %reduce_max3A_714 = arith.constant dense<0xFF800000> : vector<1024xf32>
    %reduce_max3A_715 = vector.multi_reduction <maximumf>, %select_n3A_713, %reduce_max3A_714 [0] : vector<128x1024xf32> to vector<1024xf32>
    %broadcast_in_dim3A_716 = vector.shape_cast %reduce_max3A_715 : vector<1024xf32> to vector<1x1024xf32>
    %mul3A_717 = arith.constant 7.812500e-03 : f32
    %mul3A_718 = vector.broadcast %mul3A_717 : f32 to vector<1x1024xf32>
    %mul3A_719 = arith.mulf %broadcast_in_dim3A_716, %mul3A_718 : vector<1x1024xf32>
    %floor3A_720 = math.floor %mul3A_719 : vector<1x1024xf32>
    %mul3A_721 = arith.constant 1.280000e+02 : f32
    %mul3A_722 = vector.broadcast %mul3A_721 : f32 to vector<1x1024xf32>
    %mul3A_723 = arith.mulf %floor3A_720, %mul3A_722 : vector<1x1024xf32>
    %sub3A_724 = arith.subf %broadcast_in_dim3A_716, %mul3A_723 : vector<1x1024xf32>
    %eq3A_725 = vector.broadcast %broadcast_in_dim3A_716 : vector<1x1024xf32> to vector<128x1024xf32>
    %eq3A_726 = arith.cmpf oeq, %select_n3A_713, %eq3A_725 : vector<128x1024xf32>
    %jit3A_727 = arith.constant -1.000000e+00 : f32
    %broadcast_in_dim3A_728 = vector.broadcast %jit3A_727 : f32 to vector<128x1024xf32>
    %select_n3A_729 = arith.select %eq3A_726, %broadcast_in_dim3A_728, %select_n3A_713 : vector<128x1024xi1>, vector<128x1024xf32>
    %reduce_max3A_730 = arith.constant dense<0xFF800000> : vector<1024xf32>
    %reduce_max3A_731 = vector.multi_reduction <maximumf>, %select_n3A_729, %reduce_max3A_730 [0] : vector<128x1024xf32> to vector<1024xf32>
    %broadcast_in_dim3A_732 = vector.shape_cast %reduce_max3A_731 : vector<1024xf32> to vector<1x1024xf32>
    %mul3A_733 = arith.constant 7.812500e-03 : f32
    %mul3A_734 = vector.broadcast %mul3A_733 : f32 to vector<1x1024xf32>
    %mul3A_735 = arith.mulf %broadcast_in_dim3A_732, %mul3A_734 : vector<1x1024xf32>
    %floor3A_736 = math.floor %mul3A_735 : vector<1x1024xf32>
    %mul3A_737 = arith.constant 1.280000e+02 : f32
    %mul3A_738 = vector.broadcast %mul3A_737 : f32 to vector<1x1024xf32>
    %mul3A_739 = arith.mulf %floor3A_736, %mul3A_738 : vector<1x1024xf32>
    %sub3A_740 = arith.subf %broadcast_in_dim3A_732, %mul3A_739 : vector<1x1024xf32>
    %eq3A_741 = vector.broadcast %broadcast_in_dim3A_732 : vector<1x1024xf32> to vector<128x1024xf32>
    %eq3A_742 = arith.cmpf oeq, %select_n3A_729, %eq3A_741 : vector<128x1024xf32>
    %jit3A_743 = arith.constant -1.000000e+00 : f32
    %broadcast_in_dim3A_744 = vector.broadcast %jit3A_743 : f32 to vector<128x1024xf32>
    %select_n3A_745 = arith.select %eq3A_742, %broadcast_in_dim3A_744, %select_n3A_729 : vector<128x1024xi1>, vector<128x1024xf32>
    %reduce_max3A_746 = arith.constant dense<0xFF800000> : vector<1024xf32>
    %reduce_max3A_747 = vector.multi_reduction <maximumf>, %select_n3A_745, %reduce_max3A_746 [0] : vector<128x1024xf32> to vector<1024xf32>
    %broadcast_in_dim3A_748 = vector.shape_cast %reduce_max3A_747 : vector<1024xf32> to vector<1x1024xf32>
    %mul3A_749 = arith.constant 7.812500e-03 : f32
    %mul3A_750 = vector.broadcast %mul3A_749 : f32 to vector<1x1024xf32>
    %mul3A_751 = arith.mulf %broadcast_in_dim3A_748, %mul3A_750 : vector<1x1024xf32>
    %floor3A_752 = math.floor %mul3A_751 : vector<1x1024xf32>
    %mul3A_753 = arith.constant 1.280000e+02 : f32
    %mul3A_754 = vector.broadcast %mul3A_753 : f32 to vector<1x1024xf32>
    %mul3A_755 = arith.mulf %floor3A_752, %mul3A_754 : vector<1x1024xf32>
    %sub3A_756 = arith.subf %broadcast_in_dim3A_748, %mul3A_755 : vector<1x1024xf32>
    %eq3A_757 = vector.broadcast %broadcast_in_dim3A_748 : vector<1x1024xf32> to vector<128x1024xf32>
    %eq3A_758 = arith.cmpf oeq, %select_n3A_745, %eq3A_757 : vector<128x1024xf32>
    %jit3A_759 = arith.constant -1.000000e+00 : f32
    %broadcast_in_dim3A_760 = vector.broadcast %jit3A_759 : f32 to vector<128x1024xf32>
    %select_n3A_761 = arith.select %eq3A_758, %broadcast_in_dim3A_760, %select_n3A_745 : vector<128x1024xi1>, vector<128x1024xf32>
    %reduce_max3A_762 = arith.constant dense<0xFF800000> : vector<1024xf32>
    %reduce_max3A_763 = vector.multi_reduction <maximumf>, %select_n3A_761, %reduce_max3A_762 [0] : vector<128x1024xf32> to vector<1024xf32>
    %broadcast_in_dim3A_764 = vector.shape_cast %reduce_max3A_763 : vector<1024xf32> to vector<1x1024xf32>
    %mul3A_765 = arith.constant 7.812500e-03 : f32
    %mul3A_766 = vector.broadcast %mul3A_765 : f32 to vector<1x1024xf32>
    %mul3A_767 = arith.mulf %broadcast_in_dim3A_764, %mul3A_766 : vector<1x1024xf32>
    %floor3A_768 = math.floor %mul3A_767 : vector<1x1024xf32>
    %mul3A_769 = arith.constant 1.280000e+02 : f32
    %mul3A_770 = vector.broadcast %mul3A_769 : f32 to vector<1x1024xf32>
    %mul3A_771 = arith.mulf %floor3A_768, %mul3A_770 : vector<1x1024xf32>
    %sub3A_772 = arith.subf %broadcast_in_dim3A_764, %mul3A_771 : vector<1x1024xf32>
    %eq3A_773 = vector.broadcast %broadcast_in_dim3A_764 : vector<1x1024xf32> to vector<128x1024xf32>
    %eq3A_774 = arith.cmpf oeq, %select_n3A_761, %eq3A_773 : vector<128x1024xf32>
    %jit3A_775 = arith.constant -1.000000e+00 : f32
    %broadcast_in_dim3A_776 = vector.broadcast %jit3A_775 : f32 to vector<128x1024xf32>
    %select_n3A_777 = arith.select %eq3A_774, %broadcast_in_dim3A_776, %select_n3A_761 : vector<128x1024xi1>, vector<128x1024xf32>
    %reduce_max3A_778 = arith.constant dense<0xFF800000> : vector<1024xf32>
    %reduce_max3A_779 = vector.multi_reduction <maximumf>, %select_n3A_777, %reduce_max3A_778 [0] : vector<128x1024xf32> to vector<1024xf32>
    %broadcast_in_dim3A_780 = vector.shape_cast %reduce_max3A_779 : vector<1024xf32> to vector<1x1024xf32>
    %mul3A_781 = arith.constant 7.812500e-03 : f32
    %mul3A_782 = vector.broadcast %mul3A_781 : f32 to vector<1x1024xf32>
    %mul3A_783 = arith.mulf %broadcast_in_dim3A_780, %mul3A_782 : vector<1x1024xf32>
    %floor3A_784 = math.floor %mul3A_783 : vector<1x1024xf32>
    %mul3A_785 = arith.constant 1.280000e+02 : f32
    %mul3A_786 = vector.broadcast %mul3A_785 : f32 to vector<1x1024xf32>
    %mul3A_787 = arith.mulf %floor3A_784, %mul3A_786 : vector<1x1024xf32>
    %sub3A_788 = arith.subf %broadcast_in_dim3A_780, %mul3A_787 : vector<1x1024xf32>
    %concatenate3A_789 = tpu.concatenate %sub3A_692, %sub3A_708, %sub3A_724, %sub3A_740, %sub3A_756, %sub3A_772, %sub3A_788 in 0 : vector<1x1024xf32>, vector<1x1024xf32>, vector<1x1024xf32>, vector<1x1024xf32>, vector<1x1024xf32>, vector<1x1024xf32>, vector<1x1024xf32> -> vector<7x1024xf32>
    %transpose3A_790 = tpu.transpose %concatenate3A_789, [1, 0] : vector<7x1024xf32> -> vector<1024x7xf32>
    %convert_element_type3A_791 = arith.fptosi %transpose3A_790 : vector<1024x7xf32> to vector<1024x7xi32>
    %slice3A_792 = vector.extract_strided_slice %slice3A_592 {offsets = [0, 0], sizes = [128, 128], strides = [1, 1]} : vector<2304x128xf32> to vector<128x128xf32>
    %dot_general3A_793 = arith.constant dense<0.000000e+00> : vector<1024x128xf32>
    %dot_general3A_794 = tpu.matmul %get3A_10, %slice3A_792, %dot_general3A_793 {dimension_numbers = #tpu.dot_dimension_numbers<[1], [1], [0], [0], [0, 0, 1, 0], [], []>, transpose_lhs_hint = false} : vector<1024x128xf32>, vector<128x128xf32>, vector<1024x128xf32> -> vector<1024x128xf32>
    %lt3A_795 = arith.constant 0 : i32
    %lt3A_796 = vector.broadcast %lt3A_795 : i32 to vector<1024x7xi32>
    %lt3A_797 = arith.cmpi slt, %convert_element_type3A_791, %lt3A_796 : vector<1024x7xi32>
    %add3A_798 = arith.constant 128 : i32
    %add3A_799 = vector.broadcast %add3A_798 : i32 to vector<1024x7xi32>
    %add3A_800 = arith.addi %convert_element_type3A_791, %add3A_799 : vector<1024x7xi32>
    %select_n3A_801 = arith.select %lt3A_797, %add3A_800, %convert_element_type3A_791 : vector<1024x7xi1>, vector<1024x7xi32>
    %reshape3A_802 = vector.shape_cast %select_n3A_801 : vector<1024x7xi32> to vector<1024x7x1xi32>
    %gather3A_803 = vector.shape_cast %reshape3A_802 : vector<1024x7x1xi32> to vector<1024x7xi32>
    %gather3A_804 = tpu.dynamic_gather %dot_general3A_794[%gather3A_803] in [1] : vector<1024x128xf32>, vector<1024x7xi32> -> vector<1024x7xf32>
    %slice3A_805 = vector.extract_strided_slice %slice3A_592 {offsets = [128, 0], sizes = [128, 128], strides = [1, 1]} : vector<2304x128xf32> to vector<128x128xf32>
    %dot_general3A_806 = arith.constant dense<0.000000e+00> : vector<1024x128xf32>
    %dot_general3A_807 = tpu.matmul %get3A_10, %slice3A_805, %dot_general3A_806 {dimension_numbers = #tpu.dot_dimension_numbers<[1], [1], [0], [0], [0, 0, 1, 0], [], []>, transpose_lhs_hint = false} : vector<1024x128xf32>, vector<128x128xf32>, vector<1024x128xf32> -> vector<1024x128xf32>
    %lt3A_808 = arith.constant 0 : i32
    %lt3A_809 = vector.broadcast %lt3A_808 : i32 to vector<1024x7xi32>
    %lt3A_810 = arith.cmpi slt, %convert_element_type3A_791, %lt3A_809 : vector<1024x7xi32>
    %add3A_811 = arith.constant 128 : i32
    %add3A_812 = vector.broadcast %add3A_811 : i32 to vector<1024x7xi32>
    %add3A_813 = arith.addi %convert_element_type3A_791, %add3A_812 : vector<1024x7xi32>
    %select_n3A_814 = arith.select %lt3A_810, %add3A_813, %convert_element_type3A_791 : vector<1024x7xi1>, vector<1024x7xi32>
    %reshape3A_815 = vector.shape_cast %select_n3A_814 : vector<1024x7xi32> to vector<1024x7x1xi32>
    %gather3A_816 = vector.shape_cast %reshape3A_815 : vector<1024x7x1xi32> to vector<1024x7xi32>
    %gather3A_817 = tpu.dynamic_gather %dot_general3A_807[%gather3A_816] in [1] : vector<1024x128xf32>, vector<1024x7xi32> -> vector<1024x7xf32>
    %slice3A_818 = vector.extract_strided_slice %slice3A_592 {offsets = [256, 0], sizes = [128, 128], strides = [1, 1]} : vector<2304x128xf32> to vector<128x128xf32>
    %dot_general3A_819 = arith.constant dense<0.000000e+00> : vector<1024x128xf32>
    %dot_general3A_820 = tpu.matmul %get3A_10, %slice3A_818, %dot_general3A_819 {dimension_numbers = #tpu.dot_dimension_numbers<[1], [1], [0], [0], [0, 0, 1, 0], [], []>, transpose_lhs_hint = false} : vector<1024x128xf32>, vector<128x128xf32>, vector<1024x128xf32> -> vector<1024x128xf32>
    %lt3A_821 = arith.constant 0 : i32
    %lt3A_822 = vector.broadcast %lt3A_821 : i32 to vector<1024x7xi32>
    %lt3A_823 = arith.cmpi slt, %convert_element_type3A_791, %lt3A_822 : vector<1024x7xi32>
    %add3A_824 = arith.constant 128 : i32
    %add3A_825 = vector.broadcast %add3A_824 : i32 to vector<1024x7xi32>
    %add3A_826 = arith.addi %convert_element_type3A_791, %add3A_825 : vector<1024x7xi32>
    %select_n3A_827 = arith.select %lt3A_823, %add3A_826, %convert_element_type3A_791 : vector<1024x7xi1>, vector<1024x7xi32>
    %reshape3A_828 = vector.shape_cast %select_n3A_827 : vector<1024x7xi32> to vector<1024x7x1xi32>
    %gather3A_829 = vector.shape_cast %reshape3A_828 : vector<1024x7x1xi32> to vector<1024x7xi32>
    %gather3A_830 = tpu.dynamic_gather %dot_general3A_820[%gather3A_829] in [1] : vector<1024x128xf32>, vector<1024x7xi32> -> vector<1024x7xf32>
    %slice3A_831 = vector.extract_strided_slice %slice3A_592 {offsets = [384, 0], sizes = [128, 128], strides = [1, 1]} : vector<2304x128xf32> to vector<128x128xf32>
    %dot_general3A_832 = arith.constant dense<0.000000e+00> : vector<1024x128xf32>
    %dot_general3A_833 = tpu.matmul %get3A_10, %slice3A_831, %dot_general3A_832 {dimension_numbers = #tpu.dot_dimension_numbers<[1], [1], [0], [0], [0, 0, 1, 0], [], []>, transpose_lhs_hint = false} : vector<1024x128xf32>, vector<128x128xf32>, vector<1024x128xf32> -> vector<1024x128xf32>
    %lt3A_834 = arith.constant 0 : i32
    %lt3A_835 = vector.broadcast %lt3A_834 : i32 to vector<1024x7xi32>
    %lt3A_836 = arith.cmpi slt, %convert_element_type3A_791, %lt3A_835 : vector<1024x7xi32>
    %add3A_837 = arith.constant 128 : i32
    %add3A_838 = vector.broadcast %add3A_837 : i32 to vector<1024x7xi32>
    %add3A_839 = arith.addi %convert_element_type3A_791, %add3A_838 : vector<1024x7xi32>
    %select_n3A_840 = arith.select %lt3A_836, %add3A_839, %convert_element_type3A_791 : vector<1024x7xi1>, vector<1024x7xi32>
    %reshape3A_841 = vector.shape_cast %select_n3A_840 : vector<1024x7xi32> to vector<1024x7x1xi32>
    %gather3A_842 = vector.shape_cast %reshape3A_841 : vector<1024x7x1xi32> to vector<1024x7xi32>
    %gather3A_843 = tpu.dynamic_gather %dot_general3A_833[%gather3A_842] in [1] : vector<1024x128xf32>, vector<1024x7xi32> -> vector<1024x7xf32>
    %slice3A_844 = vector.extract_strided_slice %slice3A_592 {offsets = [512, 0], sizes = [128, 128], strides = [1, 1]} : vector<2304x128xf32> to vector<128x128xf32>
    %dot_general3A_845 = arith.constant dense<0.000000e+00> : vector<1024x128xf32>
    %dot_general3A_846 = tpu.matmul %get3A_10, %slice3A_844, %dot_general3A_845 {dimension_numbers = #tpu.dot_dimension_numbers<[1], [1], [0], [0], [0, 0, 1, 0], [], []>, transpose_lhs_hint = false} : vector<1024x128xf32>, vector<128x128xf32>, vector<1024x128xf32> -> vector<1024x128xf32>
    %lt3A_847 = arith.constant 0 : i32
    %lt3A_848 = vector.broadcast %lt3A_847 : i32 to vector<1024x7xi32>
    %lt3A_849 = arith.cmpi slt, %convert_element_type3A_791, %lt3A_848 : vector<1024x7xi32>
    %add3A_850 = arith.constant 128 : i32
    %add3A_851 = vector.broadcast %add3A_850 : i32 to vector<1024x7xi32>
    %add3A_852 = arith.addi %convert_element_type3A_791, %add3A_851 : vector<1024x7xi32>
    %select_n3A_853 = arith.select %lt3A_849, %add3A_852, %convert_element_type3A_791 : vector<1024x7xi1>, vector<1024x7xi32>
    %reshape3A_854 = vector.shape_cast %select_n3A_853 : vector<1024x7xi32> to vector<1024x7x1xi32>
    %gather3A_855 = vector.shape_cast %reshape3A_854 : vector<1024x7x1xi32> to vector<1024x7xi32>
    %gather3A_856 = tpu.dynamic_gather %dot_general3A_846[%gather3A_855] in [1] : vector<1024x128xf32>, vector<1024x7xi32> -> vector<1024x7xf32>
    %slice3A_857 = vector.extract_strided_slice %slice3A_592 {offsets = [640, 0], sizes = [128, 128], strides = [1, 1]} : vector<2304x128xf32> to vector<128x128xf32>
    %dot_general3A_858 = arith.constant dense<0.000000e+00> : vector<1024x128xf32>
    %dot_general3A_859 = tpu.matmul %get3A_10, %slice3A_857, %dot_general3A_858 {dimension_numbers = #tpu.dot_dimension_numbers<[1], [1], [0], [0], [0, 0, 1, 0], [], []>, transpose_lhs_hint = false} : vector<1024x128xf32>, vector<128x128xf32>, vector<1024x128xf32> -> vector<1024x128xf32>
    %lt3A_860 = arith.constant 0 : i32
    %lt3A_861 = vector.broadcast %lt3A_860 : i32 to vector<1024x7xi32>
    %lt3A_862 = arith.cmpi slt, %convert_element_type3A_791, %lt3A_861 : vector<1024x7xi32>
    %add3A_863 = arith.constant 128 : i32
    %add3A_864 = vector.broadcast %add3A_863 : i32 to vector<1024x7xi32>
    %add3A_865 = arith.addi %convert_element_type3A_791, %add3A_864 : vector<1024x7xi32>
    %select_n3A_866 = arith.select %lt3A_862, %add3A_865, %convert_element_type3A_791 : vector<1024x7xi1>, vector<1024x7xi32>
    %reshape3A_867 = vector.shape_cast %select_n3A_866 : vector<1024x7xi32> to vector<1024x7x1xi32>
    %gather3A_868 = vector.shape_cast %reshape3A_867 : vector<1024x7x1xi32> to vector<1024x7xi32>
    %gather3A_869 = tpu.dynamic_gather %dot_general3A_859[%gather3A_868] in [1] : vector<1024x128xf32>, vector<1024x7xi32> -> vector<1024x7xf32>
    %slice3A_870 = vector.extract_strided_slice %slice3A_592 {offsets = [768, 0], sizes = [128, 128], strides = [1, 1]} : vector<2304x128xf32> to vector<128x128xf32>
    %dot_general3A_871 = arith.constant dense<0.000000e+00> : vector<1024x128xf32>
    %dot_general3A_872 = tpu.matmul %get3A_10, %slice3A_870, %dot_general3A_871 {dimension_numbers = #tpu.dot_dimension_numbers<[1], [1], [0], [0], [0, 0, 1, 0], [], []>, transpose_lhs_hint = false} : vector<1024x128xf32>, vector<128x128xf32>, vector<1024x128xf32> -> vector<1024x128xf32>
    %lt3A_873 = arith.constant 0 : i32
    %lt3A_874 = vector.broadcast %lt3A_873 : i32 to vector<1024x7xi32>
    %lt3A_875 = arith.cmpi slt, %convert_element_type3A_791, %lt3A_874 : vector<1024x7xi32>
    %add3A_876 = arith.constant 128 : i32
    %add3A_877 = vector.broadcast %add3A_876 : i32 to vector<1024x7xi32>
    %add3A_878 = arith.addi %convert_element_type3A_791, %add3A_877 : vector<1024x7xi32>
    %select_n3A_879 = arith.select %lt3A_875, %add3A_878, %convert_element_type3A_791 : vector<1024x7xi1>, vector<1024x7xi32>
    %reshape3A_880 = vector.shape_cast %select_n3A_879 : vector<1024x7xi32> to vector<1024x7x1xi32>
    %gather3A_881 = vector.shape_cast %reshape3A_880 : vector<1024x7x1xi32> to vector<1024x7xi32>
    %gather3A_882 = tpu.dynamic_gather %dot_general3A_872[%gather3A_881] in [1] : vector<1024x128xf32>, vector<1024x7xi32> -> vector<1024x7xf32>
    %slice3A_883 = vector.extract_strided_slice %slice3A_592 {offsets = [896, 0], sizes = [128, 128], strides = [1, 1]} : vector<2304x128xf32> to vector<128x128xf32>
    %dot_general3A_884 = arith.constant dense<0.000000e+00> : vector<1024x128xf32>
    %dot_general3A_885 = tpu.matmul %get3A_10, %slice3A_883, %dot_general3A_884 {dimension_numbers = #tpu.dot_dimension_numbers<[1], [1], [0], [0], [0, 0, 1, 0], [], []>, transpose_lhs_hint = false} : vector<1024x128xf32>, vector<128x128xf32>, vector<1024x128xf32> -> vector<1024x128xf32>
    %lt3A_886 = arith.constant 0 : i32
    %lt3A_887 = vector.broadcast %lt3A_886 : i32 to vector<1024x7xi32>
    %lt3A_888 = arith.cmpi slt, %convert_element_type3A_791, %lt3A_887 : vector<1024x7xi32>
    %add3A_889 = arith.constant 128 : i32
    %add3A_890 = vector.broadcast %add3A_889 : i32 to vector<1024x7xi32>
    %add3A_891 = arith.addi %convert_element_type3A_791, %add3A_890 : vector<1024x7xi32>
    %select_n3A_892 = arith.select %lt3A_888, %add3A_891, %convert_element_type3A_791 : vector<1024x7xi1>, vector<1024x7xi32>
    %reshape3A_893 = vector.shape_cast %select_n3A_892 : vector<1024x7xi32> to vector<1024x7x1xi32>
    %gather3A_894 = vector.shape_cast %reshape3A_893 : vector<1024x7x1xi32> to vector<1024x7xi32>
    %gather3A_895 = tpu.dynamic_gather %dot_general3A_885[%gather3A_894] in [1] : vector<1024x128xf32>, vector<1024x7xi32> -> vector<1024x7xf32>
    %slice3A_896 = vector.extract_strided_slice %slice3A_592 {offsets = [1024, 0], sizes = [128, 128], strides = [1, 1]} : vector<2304x128xf32> to vector<128x128xf32>
    %dot_general3A_897 = arith.constant dense<0.000000e+00> : vector<1024x128xf32>
    %dot_general3A_898 = tpu.matmul %get3A_10, %slice3A_896, %dot_general3A_897 {dimension_numbers = #tpu.dot_dimension_numbers<[1], [1], [0], [0], [0, 0, 1, 0], [], []>, transpose_lhs_hint = false} : vector<1024x128xf32>, vector<128x128xf32>, vector<1024x128xf32> -> vector<1024x128xf32>
    %lt3A_899 = arith.constant 0 : i32
    %lt3A_900 = vector.broadcast %lt3A_899 : i32 to vector<1024x7xi32>
    %lt3A_901 = arith.cmpi slt, %convert_element_type3A_791, %lt3A_900 : vector<1024x7xi32>
    %add3A_902 = arith.constant 128 : i32
    %add3A_903 = vector.broadcast %add3A_902 : i32 to vector<1024x7xi32>
    %add3A_904 = arith.addi %convert_element_type3A_791, %add3A_903 : vector<1024x7xi32>
    %select_n3A_905 = arith.select %lt3A_901, %add3A_904, %convert_element_type3A_791 : vector<1024x7xi1>, vector<1024x7xi32>
    %reshape3A_906 = vector.shape_cast %select_n3A_905 : vector<1024x7xi32> to vector<1024x7x1xi32>
    %gather3A_907 = vector.shape_cast %reshape3A_906 : vector<1024x7x1xi32> to vector<1024x7xi32>
    %gather3A_908 = tpu.dynamic_gather %dot_general3A_898[%gather3A_907] in [1] : vector<1024x128xf32>, vector<1024x7xi32> -> vector<1024x7xf32>
    %slice3A_909 = vector.extract_strided_slice %slice3A_592 {offsets = [1152, 0], sizes = [128, 128], strides = [1, 1]} : vector<2304x128xf32> to vector<128x128xf32>
    %dot_general3A_910 = arith.constant dense<0.000000e+00> : vector<1024x128xf32>
    %dot_general3A_911 = tpu.matmul %get3A_10, %slice3A_909, %dot_general3A_910 {dimension_numbers = #tpu.dot_dimension_numbers<[1], [1], [0], [0], [0, 0, 1, 0], [], []>, transpose_lhs_hint = false} : vector<1024x128xf32>, vector<128x128xf32>, vector<1024x128xf32> -> vector<1024x128xf32>
    %lt3A_912 = arith.constant 0 : i32
    %lt3A_913 = vector.broadcast %lt3A_912 : i32 to vector<1024x7xi32>
    %lt3A_914 = arith.cmpi slt, %convert_element_type3A_791, %lt3A_913 : vector<1024x7xi32>
    %add3A_915 = arith.constant 128 : i32
    %add3A_916 = vector.broadcast %add3A_915 : i32 to vector<1024x7xi32>
    %add3A_917 = arith.addi %convert_element_type3A_791, %add3A_916 : vector<1024x7xi32>
    %select_n3A_918 = arith.select %lt3A_914, %add3A_917, %convert_element_type3A_791 : vector<1024x7xi1>, vector<1024x7xi32>
    %reshape3A_919 = vector.shape_cast %select_n3A_918 : vector<1024x7xi32> to vector<1024x7x1xi32>
    %gather3A_920 = vector.shape_cast %reshape3A_919 : vector<1024x7x1xi32> to vector<1024x7xi32>
    %gather3A_921 = tpu.dynamic_gather %dot_general3A_911[%gather3A_920] in [1] : vector<1024x128xf32>, vector<1024x7xi32> -> vector<1024x7xf32>
    %slice3A_922 = vector.extract_strided_slice %slice3A_592 {offsets = [1280, 0], sizes = [128, 128], strides = [1, 1]} : vector<2304x128xf32> to vector<128x128xf32>
    %dot_general3A_923 = arith.constant dense<0.000000e+00> : vector<1024x128xf32>
    %dot_general3A_924 = tpu.matmul %get3A_10, %slice3A_922, %dot_general3A_923 {dimension_numbers = #tpu.dot_dimension_numbers<[1], [1], [0], [0], [0, 0, 1, 0], [], []>, transpose_lhs_hint = false} : vector<1024x128xf32>, vector<128x128xf32>, vector<1024x128xf32> -> vector<1024x128xf32>
    %lt3A_925 = arith.constant 0 : i32
    %lt3A_926 = vector.broadcast %lt3A_925 : i32 to vector<1024x7xi32>
    %lt3A_927 = arith.cmpi slt, %convert_element_type3A_791, %lt3A_926 : vector<1024x7xi32>
    %add3A_928 = arith.constant 128 : i32
    %add3A_929 = vector.broadcast %add3A_928 : i32 to vector<1024x7xi32>
    %add3A_930 = arith.addi %convert_element_type3A_791, %add3A_929 : vector<1024x7xi32>
    %select_n3A_931 = arith.select %lt3A_927, %add3A_930, %convert_element_type3A_791 : vector<1024x7xi1>, vector<1024x7xi32>
    %reshape3A_932 = vector.shape_cast %select_n3A_931 : vector<1024x7xi32> to vector<1024x7x1xi32>
    %gather3A_933 = vector.shape_cast %reshape3A_932 : vector<1024x7x1xi32> to vector<1024x7xi32>
    %gather3A_934 = tpu.dynamic_gather %dot_general3A_924[%gather3A_933] in [1] : vector<1024x128xf32>, vector<1024x7xi32> -> vector<1024x7xf32>
    %slice3A_935 = vector.extract_strided_slice %slice3A_592 {offsets = [1408, 0], sizes = [128, 128], strides = [1, 1]} : vector<2304x128xf32> to vector<128x128xf32>
    %dot_general3A_936 = arith.constant dense<0.000000e+00> : vector<1024x128xf32>
    %dot_general3A_937 = tpu.matmul %get3A_10, %slice3A_935, %dot_general3A_936 {dimension_numbers = #tpu.dot_dimension_numbers<[1], [1], [0], [0], [0, 0, 1, 0], [], []>, transpose_lhs_hint = false} : vector<1024x128xf32>, vector<128x128xf32>, vector<1024x128xf32> -> vector<1024x128xf32>
    %lt3A_938 = arith.constant 0 : i32
    %lt3A_939 = vector.broadcast %lt3A_938 : i32 to vector<1024x7xi32>
    %lt3A_940 = arith.cmpi slt, %convert_element_type3A_791, %lt3A_939 : vector<1024x7xi32>
    %add3A_941 = arith.constant 128 : i32
    %add3A_942 = vector.broadcast %add3A_941 : i32 to vector<1024x7xi32>
    %add3A_943 = arith.addi %convert_element_type3A_791, %add3A_942 : vector<1024x7xi32>
    %select_n3A_944 = arith.select %lt3A_940, %add3A_943, %convert_element_type3A_791 : vector<1024x7xi1>, vector<1024x7xi32>
    %reshape3A_945 = vector.shape_cast %select_n3A_944 : vector<1024x7xi32> to vector<1024x7x1xi32>
    %gather3A_946 = vector.shape_cast %reshape3A_945 : vector<1024x7x1xi32> to vector<1024x7xi32>
    %gather3A_947 = tpu.dynamic_gather %dot_general3A_937[%gather3A_946] in [1] : vector<1024x128xf32>, vector<1024x7xi32> -> vector<1024x7xf32>
    %slice3A_948 = vector.extract_strided_slice %slice3A_592 {offsets = [1536, 0], sizes = [128, 128], strides = [1, 1]} : vector<2304x128xf32> to vector<128x128xf32>
    %dot_general3A_949 = arith.constant dense<0.000000e+00> : vector<1024x128xf32>
    %dot_general3A_950 = tpu.matmul %get3A_10, %slice3A_948, %dot_general3A_949 {dimension_numbers = #tpu.dot_dimension_numbers<[1], [1], [0], [0], [0, 0, 1, 0], [], []>, transpose_lhs_hint = false} : vector<1024x128xf32>, vector<128x128xf32>, vector<1024x128xf32> -> vector<1024x128xf32>
    %lt3A_951 = arith.constant 0 : i32
    %lt3A_952 = vector.broadcast %lt3A_951 : i32 to vector<1024x7xi32>
    %lt3A_953 = arith.cmpi slt, %convert_element_type3A_791, %lt3A_952 : vector<1024x7xi32>
    %add3A_954 = arith.constant 128 : i32
    %add3A_955 = vector.broadcast %add3A_954 : i32 to vector<1024x7xi32>
    %add3A_956 = arith.addi %convert_element_type3A_791, %add3A_955 : vector<1024x7xi32>
    %select_n3A_957 = arith.select %lt3A_953, %add3A_956, %convert_element_type3A_791 : vector<1024x7xi1>, vector<1024x7xi32>
    %reshape3A_958 = vector.shape_cast %select_n3A_957 : vector<1024x7xi32> to vector<1024x7x1xi32>
    %gather3A_959 = vector.shape_cast %reshape3A_958 : vector<1024x7x1xi32> to vector<1024x7xi32>
    %gather3A_960 = tpu.dynamic_gather %dot_general3A_950[%gather3A_959] in [1] : vector<1024x128xf32>, vector<1024x7xi32> -> vector<1024x7xf32>
    %slice3A_961 = vector.extract_strided_slice %slice3A_592 {offsets = [1664, 0], sizes = [128, 128], strides = [1, 1]} : vector<2304x128xf32> to vector<128x128xf32>
    %dot_general3A_962 = arith.constant dense<0.000000e+00> : vector<1024x128xf32>
    %dot_general3A_963 = tpu.matmul %get3A_10, %slice3A_961, %dot_general3A_962 {dimension_numbers = #tpu.dot_dimension_numbers<[1], [1], [0], [0], [0, 0, 1, 0], [], []>, transpose_lhs_hint = false} : vector<1024x128xf32>, vector<128x128xf32>, vector<1024x128xf32> -> vector<1024x128xf32>
    %lt3A_964 = arith.constant 0 : i32
    %lt3A_965 = vector.broadcast %lt3A_964 : i32 to vector<1024x7xi32>
    %lt3A_966 = arith.cmpi slt, %convert_element_type3A_791, %lt3A_965 : vector<1024x7xi32>
    %add3A_967 = arith.constant 128 : i32
    %add3A_968 = vector.broadcast %add3A_967 : i32 to vector<1024x7xi32>
    %add3A_969 = arith.addi %convert_element_type3A_791, %add3A_968 : vector<1024x7xi32>
    %select_n3A_970 = arith.select %lt3A_966, %add3A_969, %convert_element_type3A_791 : vector<1024x7xi1>, vector<1024x7xi32>
    %reshape3A_971 = vector.shape_cast %select_n3A_970 : vector<1024x7xi32> to vector<1024x7x1xi32>
    %gather3A_972 = vector.shape_cast %reshape3A_971 : vector<1024x7x1xi32> to vector<1024x7xi32>
    %gather3A_973 = tpu.dynamic_gather %dot_general3A_963[%gather3A_972] in [1] : vector<1024x128xf32>, vector<1024x7xi32> -> vector<1024x7xf32>
    %slice3A_974 = vector.extract_strided_slice %slice3A_592 {offsets = [1792, 0], sizes = [128, 128], strides = [1, 1]} : vector<2304x128xf32> to vector<128x128xf32>
    %dot_general3A_975 = arith.constant dense<0.000000e+00> : vector<1024x128xf32>
    %dot_general3A_976 = tpu.matmul %get3A_10, %slice3A_974, %dot_general3A_975 {dimension_numbers = #tpu.dot_dimension_numbers<[1], [1], [0], [0], [0, 0, 1, 0], [], []>, transpose_lhs_hint = false} : vector<1024x128xf32>, vector<128x128xf32>, vector<1024x128xf32> -> vector<1024x128xf32>
    %lt3A_977 = arith.constant 0 : i32
    %lt3A_978 = vector.broadcast %lt3A_977 : i32 to vector<1024x7xi32>
    %lt3A_979 = arith.cmpi slt, %convert_element_type3A_791, %lt3A_978 : vector<1024x7xi32>
    %add3A_980 = arith.constant 128 : i32
    %add3A_981 = vector.broadcast %add3A_980 : i32 to vector<1024x7xi32>
    %add3A_982 = arith.addi %convert_element_type3A_791, %add3A_981 : vector<1024x7xi32>
    %select_n3A_983 = arith.select %lt3A_979, %add3A_982, %convert_element_type3A_791 : vector<1024x7xi1>, vector<1024x7xi32>
    %reshape3A_984 = vector.shape_cast %select_n3A_983 : vector<1024x7xi32> to vector<1024x7x1xi32>
    %gather3A_985 = vector.shape_cast %reshape3A_984 : vector<1024x7x1xi32> to vector<1024x7xi32>
    %gather3A_986 = tpu.dynamic_gather %dot_general3A_976[%gather3A_985] in [1] : vector<1024x128xf32>, vector<1024x7xi32> -> vector<1024x7xf32>
    %slice3A_987 = vector.extract_strided_slice %slice3A_592 {offsets = [1920, 0], sizes = [128, 128], strides = [1, 1]} : vector<2304x128xf32> to vector<128x128xf32>
    %dot_general3A_988 = arith.constant dense<0.000000e+00> : vector<1024x128xf32>
    %dot_general3A_989 = tpu.matmul %get3A_10, %slice3A_987, %dot_general3A_988 {dimension_numbers = #tpu.dot_dimension_numbers<[1], [1], [0], [0], [0, 0, 1, 0], [], []>, transpose_lhs_hint = false} : vector<1024x128xf32>, vector<128x128xf32>, vector<1024x128xf32> -> vector<1024x128xf32>
    %lt3A_990 = arith.constant 0 : i32
    %lt3A_991 = vector.broadcast %lt3A_990 : i32 to vector<1024x7xi32>
    %lt3A_992 = arith.cmpi slt, %convert_element_type3A_791, %lt3A_991 : vector<1024x7xi32>
    %add3A_993 = arith.constant 128 : i32
    %add3A_994 = vector.broadcast %add3A_993 : i32 to vector<1024x7xi32>
    %add3A_995 = arith.addi %convert_element_type3A_791, %add3A_994 : vector<1024x7xi32>
    %select_n3A_996 = arith.select %lt3A_992, %add3A_995, %convert_element_type3A_791 : vector<1024x7xi1>, vector<1024x7xi32>
    %reshape3A_997 = vector.shape_cast %select_n3A_996 : vector<1024x7xi32> to vector<1024x7x1xi32>
    %gather3A_998 = vector.shape_cast %reshape3A_997 : vector<1024x7x1xi32> to vector<1024x7xi32>
    %gather3A_999 = tpu.dynamic_gather %dot_general3A_989[%gather3A_998] in [1] : vector<1024x128xf32>, vector<1024x7xi32> -> vector<1024x7xf32>
    %slice3A_1000 = vector.extract_strided_slice %slice3A_592 {offsets = [2048, 0], sizes = [128, 128], strides = [1, 1]} : vector<2304x128xf32> to vector<128x128xf32>
    %dot_general3A_1001 = arith.constant dense<0.000000e+00> : vector<1024x128xf32>
    %dot_general3A_1002 = tpu.matmul %get3A_10, %slice3A_1000, %dot_general3A_1001 {dimension_numbers = #tpu.dot_dimension_numbers<[1], [1], [0], [0], [0, 0, 1, 0], [], []>, transpose_lhs_hint = false} : vector<1024x128xf32>, vector<128x128xf32>, vector<1024x128xf32> -> vector<1024x128xf32>
    %lt3A_1003 = arith.constant 0 : i32
    %lt3A_1004 = vector.broadcast %lt3A_1003 : i32 to vector<1024x7xi32>
    %lt3A_1005 = arith.cmpi slt, %convert_element_type3A_791, %lt3A_1004 : vector<1024x7xi32>
    %add3A_1006 = arith.constant 128 : i32
    %add3A_1007 = vector.broadcast %add3A_1006 : i32 to vector<1024x7xi32>
    %add3A_1008 = arith.addi %convert_element_type3A_791, %add3A_1007 : vector<1024x7xi32>
    %select_n3A_1009 = arith.select %lt3A_1005, %add3A_1008, %convert_element_type3A_791 : vector<1024x7xi1>, vector<1024x7xi32>
    %reshape3A_1010 = vector.shape_cast %select_n3A_1009 : vector<1024x7xi32> to vector<1024x7x1xi32>
    %gather3A_1011 = vector.shape_cast %reshape3A_1010 : vector<1024x7x1xi32> to vector<1024x7xi32>
    %gather3A_1012 = tpu.dynamic_gather %dot_general3A_1002[%gather3A_1011] in [1] : vector<1024x128xf32>, vector<1024x7xi32> -> vector<1024x7xf32>
    %slice3A_1013 = vector.extract_strided_slice %slice3A_592 {offsets = [2176, 0], sizes = [128, 128], strides = [1, 1]} : vector<2304x128xf32> to vector<128x128xf32>
    %dot_general3A_1014 = arith.constant dense<0.000000e+00> : vector<1024x128xf32>
    %dot_general3A_1015 = tpu.matmul %get3A_10, %slice3A_1013, %dot_general3A_1014 {dimension_numbers = #tpu.dot_dimension_numbers<[1], [1], [0], [0], [0, 0, 1, 0], [], []>, transpose_lhs_hint = false} : vector<1024x128xf32>, vector<128x128xf32>, vector<1024x128xf32> -> vector<1024x128xf32>
    %lt3A_1016 = arith.constant 0 : i32
    %lt3A_1017 = vector.broadcast %lt3A_1016 : i32 to vector<1024x7xi32>
    %lt3A_1018 = arith.cmpi slt, %convert_element_type3A_791, %lt3A_1017 : vector<1024x7xi32>
    %add3A_1019 = arith.constant 128 : i32
    %add3A_1020 = vector.broadcast %add3A_1019 : i32 to vector<1024x7xi32>
    %add3A_1021 = arith.addi %convert_element_type3A_791, %add3A_1020 : vector<1024x7xi32>
    %select_n3A_1022 = arith.select %lt3A_1018, %add3A_1021, %convert_element_type3A_791 : vector<1024x7xi1>, vector<1024x7xi32>
    %reshape3A_1023 = vector.shape_cast %select_n3A_1022 : vector<1024x7xi32> to vector<1024x7x1xi32>
    %gather3A_1024 = vector.shape_cast %reshape3A_1023 : vector<1024x7x1xi32> to vector<1024x7xi32>
    %gather3A_1025 = tpu.dynamic_gather %dot_general3A_1015[%gather3A_1024] in [1] : vector<1024x128xf32>, vector<1024x7xi32> -> vector<1024x7xf32>
    %concatenate3A_1026 = tpu.concatenate %gather3A_804, %gather3A_817, %gather3A_830, %gather3A_843, %gather3A_856, %gather3A_869, %gather3A_882, %gather3A_895, %gather3A_908, %gather3A_921, %gather3A_934, %gather3A_947, %gather3A_960, %gather3A_973, %gather3A_986, %gather3A_999, %gather3A_1012, %gather3A_1025 in 1 : vector<1024x7xf32>, vector<1024x7xf32>, vector<1024x7xf32>, vector<1024x7xf32>, vector<1024x7xf32>, vector<1024x7xf32>, vector<1024x7xf32>, vector<1024x7xf32>, vector<1024x7xf32>, vector<1024x7xf32>, vector<1024x7xf32>, vector<1024x7xf32>, vector<1024x7xf32>, vector<1024x7xf32>, vector<1024x7xf32>, vector<1024x7xf32>, vector<1024x7xf32>, vector<1024x7xf32> -> vector<1024x126xf32>
    %iota3A_1027 = tpu.iota {dimensions = array<i32: 1>} : vector<1x126xi32>
    %convert_element_type3A_1028 = arith.sitofp %iota3A_1027 : vector<1x126xi32> to vector<1x126xf32>
    %add3A_1029 = arith.constant 4.000000e+00 : f32
    %add3A_1030 = vector.broadcast %add3A_1029 : f32 to vector<1024x126xf32>
    %add3A_1031 = arith.addf %concatenate3A_1026, %add3A_1030 : vector<1024x126xf32>
    %mul3A_1032 = arith.constant 8.192000e+03 : f32
    %mul3A_1033 = vector.broadcast %mul3A_1032 : f32 to vector<1024x126xf32>
    %mul3A_1034 = arith.mulf %add3A_1031, %mul3A_1033 : vector<1024x126xf32>
    %floor3A_1035 = math.floor %mul3A_1034 : vector<1024x126xf32>
    %mul3A_1036 = arith.constant 1.280000e+02 : f32
    %mul3A_1037 = vector.broadcast %mul3A_1036 : f32 to vector<1024x126xf32>
    %mul3A_1038 = arith.mulf %floor3A_1035, %mul3A_1037 : vector<1024x126xf32>
    %add3A_1039 = vector.broadcast %convert_element_type3A_1028 : vector<1x126xf32> to vector<1024x126xf32>
    %add3A_1040 = arith.addf %mul3A_1038, %add3A_1039 : vector<1024x126xf32>
    %transpose3A_1041 = tpu.transpose %add3A_1040, [1, 0] : vector<1024x126xf32> -> vector<126x1024xf32>
    %reduce_max3A_1042 = arith.constant dense<0xFF800000> : vector<1024xf32>
    %reduce_max3A_1043 = vector.multi_reduction <maximumf>, %transpose3A_1041, %reduce_max3A_1042 [0] : vector<126x1024xf32> to vector<1024xf32>
    %broadcast_in_dim3A_1044 = vector.shape_cast %reduce_max3A_1043 : vector<1024xf32> to vector<1x1024xf32>
    %mul3A_1045 = arith.constant 7.812500e-03 : f32
    %mul3A_1046 = vector.broadcast %mul3A_1045 : f32 to vector<1x1024xf32>
    %mul3A_1047 = arith.mulf %broadcast_in_dim3A_1044, %mul3A_1046 : vector<1x1024xf32>
    %floor3A_1048 = math.floor %mul3A_1047 : vector<1x1024xf32>
    %mul3A_1049 = arith.constant 1.280000e+02 : f32
    %mul3A_1050 = vector.broadcast %mul3A_1049 : f32 to vector<1x1024xf32>
    %mul3A_1051 = arith.mulf %floor3A_1048, %mul3A_1050 : vector<1x1024xf32>
    %sub3A_1052 = arith.subf %broadcast_in_dim3A_1044, %mul3A_1051 : vector<1x1024xf32>
    %eq3A_1053 = vector.broadcast %broadcast_in_dim3A_1044 : vector<1x1024xf32> to vector<126x1024xf32>
    %eq3A_1054 = arith.cmpf oeq, %transpose3A_1041, %eq3A_1053 : vector<126x1024xf32>
    %jit3A_1055 = arith.constant -1.000000e+00 : f32
    %broadcast_in_dim3A_1056 = vector.broadcast %jit3A_1055 : f32 to vector<126x1024xf32>
    %select_n3A_1057 = arith.select %eq3A_1054, %broadcast_in_dim3A_1056, %transpose3A_1041 : vector<126x1024xi1>, vector<126x1024xf32>
    %reduce_max3A_1058 = arith.constant dense<0xFF800000> : vector<1024xf32>
    %reduce_max3A_1059 = vector.multi_reduction <maximumf>, %select_n3A_1057, %reduce_max3A_1058 [0] : vector<126x1024xf32> to vector<1024xf32>
    %broadcast_in_dim3A_1060 = vector.shape_cast %reduce_max3A_1059 : vector<1024xf32> to vector<1x1024xf32>
    %mul3A_1061 = arith.constant 7.812500e-03 : f32
    %mul3A_1062 = vector.broadcast %mul3A_1061 : f32 to vector<1x1024xf32>
    %mul3A_1063 = arith.mulf %broadcast_in_dim3A_1060, %mul3A_1062 : vector<1x1024xf32>
    %floor3A_1064 = math.floor %mul3A_1063 : vector<1x1024xf32>
    %mul3A_1065 = arith.constant 1.280000e+02 : f32
    %mul3A_1066 = vector.broadcast %mul3A_1065 : f32 to vector<1x1024xf32>
    %mul3A_1067 = arith.mulf %floor3A_1064, %mul3A_1066 : vector<1x1024xf32>
    %sub3A_1068 = arith.subf %broadcast_in_dim3A_1060, %mul3A_1067 : vector<1x1024xf32>
    %eq3A_1069 = vector.broadcast %broadcast_in_dim3A_1060 : vector<1x1024xf32> to vector<126x1024xf32>
    %eq3A_1070 = arith.cmpf oeq, %select_n3A_1057, %eq3A_1069 : vector<126x1024xf32>
    %jit3A_1071 = arith.constant -1.000000e+00 : f32
    %broadcast_in_dim3A_1072 = vector.broadcast %jit3A_1071 : f32 to vector<126x1024xf32>
    %select_n3A_1073 = arith.select %eq3A_1070, %broadcast_in_dim3A_1072, %select_n3A_1057 : vector<126x1024xi1>, vector<126x1024xf32>
    %reduce_max3A_1074 = arith.constant dense<0xFF800000> : vector<1024xf32>
    %reduce_max3A_1075 = vector.multi_reduction <maximumf>, %select_n3A_1073, %reduce_max3A_1074 [0] : vector<126x1024xf32> to vector<1024xf32>
    %broadcast_in_dim3A_1076 = vector.shape_cast %reduce_max3A_1075 : vector<1024xf32> to vector<1x1024xf32>
    %mul3A_1077 = arith.constant 7.812500e-03 : f32
    %mul3A_1078 = vector.broadcast %mul3A_1077 : f32 to vector<1x1024xf32>
    %mul3A_1079 = arith.mulf %broadcast_in_dim3A_1076, %mul3A_1078 : vector<1x1024xf32>
    %floor3A_1080 = math.floor %mul3A_1079 : vector<1x1024xf32>
    %mul3A_1081 = arith.constant 1.280000e+02 : f32
    %mul3A_1082 = vector.broadcast %mul3A_1081 : f32 to vector<1x1024xf32>
    %mul3A_1083 = arith.mulf %floor3A_1080, %mul3A_1082 : vector<1x1024xf32>
    %sub3A_1084 = arith.subf %broadcast_in_dim3A_1076, %mul3A_1083 : vector<1x1024xf32>
    %eq3A_1085 = vector.broadcast %broadcast_in_dim3A_1076 : vector<1x1024xf32> to vector<126x1024xf32>
    %eq3A_1086 = arith.cmpf oeq, %select_n3A_1073, %eq3A_1085 : vector<126x1024xf32>
    %jit3A_1087 = arith.constant -1.000000e+00 : f32
    %broadcast_in_dim3A_1088 = vector.broadcast %jit3A_1087 : f32 to vector<126x1024xf32>
    %select_n3A_1089 = arith.select %eq3A_1086, %broadcast_in_dim3A_1088, %select_n3A_1073 : vector<126x1024xi1>, vector<126x1024xf32>
    %reduce_max3A_1090 = arith.constant dense<0xFF800000> : vector<1024xf32>
    %reduce_max3A_1091 = vector.multi_reduction <maximumf>, %select_n3A_1089, %reduce_max3A_1090 [0] : vector<126x1024xf32> to vector<1024xf32>
    %broadcast_in_dim3A_1092 = vector.shape_cast %reduce_max3A_1091 : vector<1024xf32> to vector<1x1024xf32>
    %mul3A_1093 = arith.constant 7.812500e-03 : f32
    %mul3A_1094 = vector.broadcast %mul3A_1093 : f32 to vector<1x1024xf32>
    %mul3A_1095 = arith.mulf %broadcast_in_dim3A_1092, %mul3A_1094 : vector<1x1024xf32>
    %floor3A_1096 = math.floor %mul3A_1095 : vector<1x1024xf32>
    %mul3A_1097 = arith.constant 1.280000e+02 : f32
    %mul3A_1098 = vector.broadcast %mul3A_1097 : f32 to vector<1x1024xf32>
    %mul3A_1099 = arith.mulf %floor3A_1096, %mul3A_1098 : vector<1x1024xf32>
    %sub3A_1100 = arith.subf %broadcast_in_dim3A_1092, %mul3A_1099 : vector<1x1024xf32>
    %eq3A_1101 = vector.broadcast %broadcast_in_dim3A_1092 : vector<1x1024xf32> to vector<126x1024xf32>
    %eq3A_1102 = arith.cmpf oeq, %select_n3A_1089, %eq3A_1101 : vector<126x1024xf32>
    %jit3A_1103 = arith.constant -1.000000e+00 : f32
    %broadcast_in_dim3A_1104 = vector.broadcast %jit3A_1103 : f32 to vector<126x1024xf32>
    %select_n3A_1105 = arith.select %eq3A_1102, %broadcast_in_dim3A_1104, %select_n3A_1089 : vector<126x1024xi1>, vector<126x1024xf32>
    %reduce_max3A_1106 = arith.constant dense<0xFF800000> : vector<1024xf32>
    %reduce_max3A_1107 = vector.multi_reduction <maximumf>, %select_n3A_1105, %reduce_max3A_1106 [0] : vector<126x1024xf32> to vector<1024xf32>
    %broadcast_in_dim3A_1108 = vector.shape_cast %reduce_max3A_1107 : vector<1024xf32> to vector<1x1024xf32>
    %mul3A_1109 = arith.constant 7.812500e-03 : f32
    %mul3A_1110 = vector.broadcast %mul3A_1109 : f32 to vector<1x1024xf32>
    %mul3A_1111 = arith.mulf %broadcast_in_dim3A_1108, %mul3A_1110 : vector<1x1024xf32>
    %floor3A_1112 = math.floor %mul3A_1111 : vector<1x1024xf32>
    %mul3A_1113 = arith.constant 1.280000e+02 : f32
    %mul3A_1114 = vector.broadcast %mul3A_1113 : f32 to vector<1x1024xf32>
    %mul3A_1115 = arith.mulf %floor3A_1112, %mul3A_1114 : vector<1x1024xf32>
    %sub3A_1116 = arith.subf %broadcast_in_dim3A_1108, %mul3A_1115 : vector<1x1024xf32>
    %eq3A_1117 = vector.broadcast %broadcast_in_dim3A_1108 : vector<1x1024xf32> to vector<126x1024xf32>
    %eq3A_1118 = arith.cmpf oeq, %select_n3A_1105, %eq3A_1117 : vector<126x1024xf32>
    %jit3A_1119 = arith.constant -1.000000e+00 : f32
    %broadcast_in_dim3A_1120 = vector.broadcast %jit3A_1119 : f32 to vector<126x1024xf32>
    %select_n3A_1121 = arith.select %eq3A_1118, %broadcast_in_dim3A_1120, %select_n3A_1105 : vector<126x1024xi1>, vector<126x1024xf32>
    %reduce_max3A_1122 = arith.constant dense<0xFF800000> : vector<1024xf32>
    %reduce_max3A_1123 = vector.multi_reduction <maximumf>, %select_n3A_1121, %reduce_max3A_1122 [0] : vector<126x1024xf32> to vector<1024xf32>
    %broadcast_in_dim3A_1124 = vector.shape_cast %reduce_max3A_1123 : vector<1024xf32> to vector<1x1024xf32>
    %mul3A_1125 = arith.constant 7.812500e-03 : f32
    %mul3A_1126 = vector.broadcast %mul3A_1125 : f32 to vector<1x1024xf32>
    %mul3A_1127 = arith.mulf %broadcast_in_dim3A_1124, %mul3A_1126 : vector<1x1024xf32>
    %floor3A_1128 = math.floor %mul3A_1127 : vector<1x1024xf32>
    %mul3A_1129 = arith.constant 1.280000e+02 : f32
    %mul3A_1130 = vector.broadcast %mul3A_1129 : f32 to vector<1x1024xf32>
    %mul3A_1131 = arith.mulf %floor3A_1128, %mul3A_1130 : vector<1x1024xf32>
    %sub3A_1132 = arith.subf %broadcast_in_dim3A_1124, %mul3A_1131 : vector<1x1024xf32>
    %eq3A_1133 = vector.broadcast %broadcast_in_dim3A_1124 : vector<1x1024xf32> to vector<126x1024xf32>
    %eq3A_1134 = arith.cmpf oeq, %select_n3A_1121, %eq3A_1133 : vector<126x1024xf32>
    %jit3A_1135 = arith.constant -1.000000e+00 : f32
    %broadcast_in_dim3A_1136 = vector.broadcast %jit3A_1135 : f32 to vector<126x1024xf32>
    %select_n3A_1137 = arith.select %eq3A_1134, %broadcast_in_dim3A_1136, %select_n3A_1121 : vector<126x1024xi1>, vector<126x1024xf32>
    %reduce_max3A_1138 = arith.constant dense<0xFF800000> : vector<1024xf32>
    %reduce_max3A_1139 = vector.multi_reduction <maximumf>, %select_n3A_1137, %reduce_max3A_1138 [0] : vector<126x1024xf32> to vector<1024xf32>
    %broadcast_in_dim3A_1140 = vector.shape_cast %reduce_max3A_1139 : vector<1024xf32> to vector<1x1024xf32>
    %mul3A_1141 = arith.constant 7.812500e-03 : f32
    %mul3A_1142 = vector.broadcast %mul3A_1141 : f32 to vector<1x1024xf32>
    %mul3A_1143 = arith.mulf %broadcast_in_dim3A_1140, %mul3A_1142 : vector<1x1024xf32>
    %floor3A_1144 = math.floor %mul3A_1143 : vector<1x1024xf32>
    %mul3A_1145 = arith.constant 1.280000e+02 : f32
    %mul3A_1146 = vector.broadcast %mul3A_1145 : f32 to vector<1x1024xf32>
    %mul3A_1147 = arith.mulf %floor3A_1144, %mul3A_1146 : vector<1x1024xf32>
    %sub3A_1148 = arith.subf %broadcast_in_dim3A_1140, %mul3A_1147 : vector<1x1024xf32>
    %concatenate3A_1149 = tpu.concatenate %sub3A_1052, %sub3A_1068, %sub3A_1084, %sub3A_1100, %sub3A_1116, %sub3A_1132, %sub3A_1148 in 0 : vector<1x1024xf32>, vector<1x1024xf32>, vector<1x1024xf32>, vector<1x1024xf32>, vector<1x1024xf32>, vector<1x1024xf32>, vector<1x1024xf32> -> vector<7x1024xf32>
    %transpose3A_1150 = tpu.transpose %concatenate3A_1149, [1, 0] : vector<7x1024xf32> -> vector<1024x7xf32>
    %convert_element_type3A_1151 = arith.fptosi %transpose3A_1150 : vector<1024x7xf32> to vector<1024x7xi32>
    %mul3A_1152 = arith.constant 9363 : i32
    %mul3A_1153 = vector.broadcast %mul3A_1152 : i32 to vector<1024x7xi32>
    %mul3A_1154 = arith.muli %convert_element_type3A_1151, %mul3A_1153 : vector<1024x7xi32>
    %shift_right_arithmetic3A_1155 = arith.constant 16 : i32
    %shift_right_arithmetic3A_1156 = vector.broadcast %shift_right_arithmetic3A_1155 : i32 to vector<1024x7xi32>
    %shift_right_arithmetic3A_1157 = arith.shrsi %mul3A_1154, %shift_right_arithmetic3A_1156 : vector<1024x7xi32>
    %lt3A_1158 = arith.constant 0 : i32
    %lt3A_1159 = vector.broadcast %lt3A_1158 : i32 to vector<1024x7xi32>
    %lt3A_1160 = arith.cmpi slt, %convert_element_type3A_1151, %lt3A_1159 : vector<1024x7xi32>
    %add3A_1161 = arith.constant 126 : i32
    %add3A_1162 = vector.broadcast %add3A_1161 : i32 to vector<1024x7xi32>
    %add3A_1163 = arith.addi %convert_element_type3A_1151, %add3A_1162 : vector<1024x7xi32>
    %select_n3A_1164 = arith.select %lt3A_1160, %add3A_1163, %convert_element_type3A_1151 : vector<1024x7xi1>, vector<1024x7xi32>
    %reshape3A_1165 = vector.shape_cast %select_n3A_1164 : vector<1024x7xi32> to vector<1024x7x1xi32>
    %gather3A_1166 = vector.shape_cast %reshape3A_1165 : vector<1024x7x1xi32> to vector<1024x7xi32>
    %gather3A_1167 = tpu.dynamic_gather %concatenate3A_1026[%gather3A_1166] in [1] : vector<1024x126xf32>, vector<1024x7xi32> -> vector<1024x7xf32>
    %mul3A_1168 = arith.constant 7 : i32
    %mul3A_1169 = vector.broadcast %mul3A_1168 : i32 to vector<1024x7xi32>
    %mul3A_1170 = arith.muli %shift_right_arithmetic3A_1157, %mul3A_1169 : vector<1024x7xi32>
    %sub3A_1171 = arith.subi %convert_element_type3A_1151, %mul3A_1170 : vector<1024x7xi32>
    %lt3A_1172 = arith.constant 0 : i32
    %lt3A_1173 = vector.broadcast %lt3A_1172 : i32 to vector<1024x7xi32>
    %lt3A_1174 = arith.cmpi slt, %sub3A_1171, %lt3A_1173 : vector<1024x7xi32>
    %add3A_1175 = arith.constant 7 : i32
    %add3A_1176 = vector.broadcast %add3A_1175 : i32 to vector<1024x7xi32>
    %add3A_1177 = arith.addi %sub3A_1171, %add3A_1176 : vector<1024x7xi32>
    %select_n3A_1178 = arith.select %lt3A_1174, %add3A_1177, %sub3A_1171 : vector<1024x7xi1>, vector<1024x7xi32>
    %reshape3A_1179 = vector.shape_cast %select_n3A_1178 : vector<1024x7xi32> to vector<1024x7x1xi32>
    %gather3A_1180 = vector.shape_cast %reshape3A_1179 : vector<1024x7x1xi32> to vector<1024x7xi32>
    %gather3A_1181 = tpu.dynamic_gather %convert_element_type3A_791[%gather3A_1180] in [1] : vector<1024x7xi32>, vector<1024x7xi32> -> vector<1024x7xi32>
    %mul3A_1182 = arith.constant 128 : i32
    %mul3A_1183 = vector.broadcast %mul3A_1182 : i32 to vector<1024x7xi32>
    %mul3A_1184 = arith.muli %shift_right_arithmetic3A_1157, %mul3A_1183 : vector<1024x7xi32>
    %add3A_1185 = vector.broadcast %add3A_596 : i32 to vector<1024x7xi32>
    %add3A_1186 = arith.addi %add3A_1185, %mul3A_1184 : vector<1024x7xi32>
    %add3A_1187 = arith.addi %add3A_1186, %gather3A_1181 : vector<1024x7xi32>
    %broadcast_in_dim3A_1188 = arith.constant -4.000000e+00 : f32
    %broadcast_in_dim3A_1189 = vector.broadcast %broadcast_in_dim3A_1188 : f32 to vector<1024x2xf32>
    %broadcast_in_dim3A_1190 = arith.constant 100000 : i32
    %broadcast_in_dim3A_1191 = vector.broadcast %broadcast_in_dim3A_1190 : i32 to vector<1024x2xi32>
    %concatenate3A_1192 = tpu.concatenate %gather3A_571, %gather3A_1167, %broadcast_in_dim3A_1189 in 1 : vector<1024x7xf32>, vector<1024x7xf32>, vector<1024x2xf32> -> vector<1024x16xf32>
    %transpose3A_1193 = tpu.transpose %concatenate3A_1192, [1, 0] : vector<1024x16xf32> -> vector<16x1024xf32>
    %mul3A_1194 = arith.constant 16 : i32
    %mul3A_1195 = arith.muli %arg0, %mul3A_1194 : i32
    %swap3A = arith.index_cast %mul3A_1195 : i32 to index
    %swap3A_1196 = arith.constant 0 : index
    %swap3A_1197 = vector.load %arg5[%swap3A, %swap3A_1196] : memref<352x1024xf32, #tpu.memory_space<vmem>>, vector<16x1024xf32>
    tpu.vector_store %arg5[%swap3A, %swap3A_1196], %transpose3A_1193 {strides = array<i32>} : memref<352x1024xf32, #tpu.memory_space<vmem>>, vector<16x1024xf32>,
    %concatenate3A_1198 = tpu.concatenate %add3A_591, %add3A_1187, %broadcast_in_dim3A_1191 in 1 : vector<1024x7xi32>, vector<1024x7xi32>, vector<1024x2xi32> -> vector<1024x16xi32>
    %transpose3A_1199 = tpu.transpose %concatenate3A_1198, [1, 0] : vector<1024x16xi32> -> vector<16x1024xi32>
    %mul3A_1200 = arith.constant 16 : i32
    %mul3A_1201 = arith.muli %arg0, %mul3A_1200 : i32
    %swap3A_1202 = arith.index_cast %mul3A_1201 : i32 to index
    %swap3A_1203 = arith.constant 0 : index
    %swap3A_1204 = vector.load %arg6[%swap3A_1202, %swap3A_1203] : memref<352x1024xi32, #tpu.memory_space<vmem>>, vector<16x1024xi32>
    tpu.vector_store %arg6[%swap3A_1202, %swap3A_1203], %transpose3A_1199 {strides = array<i32>} : memref<352x1024xi32, #tpu.memory_space<vmem>>, vector<16x1024xi32>,
    %eq3A_1205 = arith.constant 21 : i32
    %eq3A_1206 = arith.cmpi eq, %arg0, %eq3A_1205 : i32
    %convert_element_type3A_1207 = arith.extui %eq3A_1206 : i1 to i32
    %cond3A = arith.constant 0 : i32
    %cond3A_1208 = arith.cmpi ne, %convert_element_type3A_1207, %cond3A : i32
    scf.if %cond3A_1208 {
      %get3A_1209 = arith.constant 0 : index
      %get3A_1210 = arith.constant 0 : index
      %get3A_1211 = vector.load %arg6[%get3A_1209, %get3A_1210] : memref<352x1024xi32, #tpu.memory_space<vmem>>, vector<352x1024xi32>
      %lt3A_1212 = arith.constant 100000 : i32
      %lt3A_1213 = vector.broadcast %lt3A_1212 : i32 to vector<352x1024xi32>
      %lt3A_1214 = arith.cmpi slt, %get3A_1211, %lt3A_1213 : vector<352x1024xi32>
      %get3A_1215 = arith.constant 0 : index
      %get3A_1216 = arith.constant 0 : index
      %get3A_1217 = vector.load %arg5[%get3A_1215, %get3A_1216] : memref<352x1024xf32, #tpu.memory_space<vmem>>, vector<352x1024xf32>
      %jit3A_1218 = arith.constant -4.000000e+00 : f32
      %broadcast_in_dim3A_1219 = vector.broadcast %jit3A_1218 : f32 to vector<352x1024xf32>
      %select_n3A_1220 = arith.select %lt3A_1214, %get3A_1217, %broadcast_in_dim3A_1219 : vector<352x1024xi1>, vector<352x1024xf32>
      %reduce_max3A_1221 = arith.constant dense<0xFF800000> : vector<1024xf32>
      %reduce_max3A_1222 = vector.multi_reduction <maximumf>, %select_n3A_1220, %reduce_max3A_1221 [0] : vector<352x1024xf32> to vector<1024xf32>
      %broadcast_in_dim3A_1223 = vector.shape_cast %reduce_max3A_1222 : vector<1024xf32> to vector<1x1024xf32>
      %eq3A_1224 = vector.broadcast %broadcast_in_dim3A_1223 : vector<1x1024xf32> to vector<352x1024xf32>
      %eq3A_1225 = arith.cmpf oeq, %select_n3A_1220, %eq3A_1224 : vector<352x1024xf32>
      %jit3A_1226 = arith.constant 1073741824 : i32
      %broadcast_in_dim3A_1227 = vector.broadcast %jit3A_1226 : i32 to vector<352x1024xi32>
      %select_n3A_1228 = arith.select %eq3A_1225, %get3A_1211, %broadcast_in_dim3A_1227 : vector<352x1024xi1>, vector<352x1024xi32>
      %reduce_min3A = arith.constant dense<2147483647> : vector<1024xi32>
      %reduce_min3A_1229 = vector.multi_reduction <minsi>, %select_n3A_1228, %reduce_min3A [0] : vector<352x1024xi32> to vector<1024xi32>
      %broadcast_in_dim3A_1230 = vector.shape_cast %reduce_min3A_1229 : vector<1024xi32> to vector<1x1024xi32>
      %eq3A_1231 = vector.broadcast %broadcast_in_dim3A_1230 : vector<1x1024xi32> to vector<352x1024xi32>
      %eq3A_1232 = arith.cmpi eq, %get3A_1211, %eq3A_1231 : vector<352x1024xi32>
      %jit3A_1233 = arith.constant -5.000000e+00 : f32
      %broadcast_in_dim3A_1234 = vector.broadcast %jit3A_1233 : f32 to vector<352x1024xf32>
      %select_n3A_1235 = arith.select %eq3A_1232, %broadcast_in_dim3A_1234, %select_n3A_1220 : vector<352x1024xi1>, vector<352x1024xf32>
      %reduce_max3A_1236 = arith.constant dense<0xFF800000> : vector<1024xf32>
      %reduce_max3A_1237 = vector.multi_reduction <maximumf>, %select_n3A_1235, %reduce_max3A_1236 [0] : vector<352x1024xf32> to vector<1024xf32>
      %broadcast_in_dim3A_1238 = vector.shape_cast %reduce_max3A_1237 : vector<1024xf32> to vector<1x1024xf32>
      %eq3A_1239 = vector.broadcast %broadcast_in_dim3A_1238 : vector<1x1024xf32> to vector<352x1024xf32>
      %eq3A_1240 = arith.cmpf oeq, %select_n3A_1235, %eq3A_1239 : vector<352x1024xf32>
      %jit3A_1241 = arith.constant 1073741824 : i32
      %broadcast_in_dim3A_1242 = vector.broadcast %jit3A_1241 : i32 to vector<352x1024xi32>
      %select_n3A_1243 = arith.select %eq3A_1240, %get3A_1211, %broadcast_in_dim3A_1242 : vector<352x1024xi1>, vector<352x1024xi32>
      %reduce_min3A_1244 = arith.constant dense<2147483647> : vector<1024xi32>
      %reduce_min3A_1245 = vector.multi_reduction <minsi>, %select_n3A_1243, %reduce_min3A_1244 [0] : vector<352x1024xi32> to vector<1024xi32>
      %broadcast_in_dim3A_1246 = vector.shape_cast %reduce_min3A_1245 : vector<1024xi32> to vector<1x1024xi32>
      %eq3A_1247 = vector.broadcast %broadcast_in_dim3A_1246 : vector<1x1024xi32> to vector<352x1024xi32>
      %eq3A_1248 = arith.cmpi eq, %get3A_1211, %eq3A_1247 : vector<352x1024xi32>
      %jit3A_1249 = arith.constant -5.000000e+00 : f32
      %broadcast_in_dim3A_1250 = vector.broadcast %jit3A_1249 : f32 to vector<352x1024xf32>
      %select_n3A_1251 = arith.select %eq3A_1248, %broadcast_in_dim3A_1250, %select_n3A_1235 : vector<352x1024xi1>, vector<352x1024xf32>
      %reduce_max3A_1252 = arith.constant dense<0xFF800000> : vector<1024xf32>
      %reduce_max3A_1253 = vector.multi_reduction <maximumf>, %select_n3A_1251, %reduce_max3A_1252 [0] : vector<352x1024xf32> to vector<1024xf32>
      %broadcast_in_dim3A_1254 = vector.shape_cast %reduce_max3A_1253 : vector<1024xf32> to vector<1x1024xf32>
      %eq3A_1255 = vector.broadcast %broadcast_in_dim3A_1254 : vector<1x1024xf32> to vector<352x1024xf32>
      %eq3A_1256 = arith.cmpf oeq, %select_n3A_1251, %eq3A_1255 : vector<352x1024xf32>
      %jit3A_1257 = arith.constant 1073741824 : i32
      %broadcast_in_dim3A_1258 = vector.broadcast %jit3A_1257 : i32 to vector<352x1024xi32>
      %select_n3A_1259 = arith.select %eq3A_1256, %get3A_1211, %broadcast_in_dim3A_1258 : vector<352x1024xi1>, vector<352x1024xi32>
      %reduce_min3A_1260 = arith.constant dense<2147483647> : vector<1024xi32>
      %reduce_min3A_1261 = vector.multi_reduction <minsi>, %select_n3A_1259, %reduce_min3A_1260 [0] : vector<352x1024xi32> to vector<1024xi32>
      %broadcast_in_dim3A_1262 = vector.shape_cast %reduce_min3A_1261 : vector<1024xi32> to vector<1x1024xi32>
      %eq3A_1263 = vector.broadcast %broadcast_in_dim3A_1262 : vector<1x1024xi32> to vector<352x1024xi32>
      %eq3A_1264 = arith.cmpi eq, %get3A_1211, %eq3A_1263 : vector<352x1024xi32>
      %jit3A_1265 = arith.constant -5.000000e+00 : f32
      %broadcast_in_dim3A_1266 = vector.broadcast %jit3A_1265 : f32 to vector<352x1024xf32>
      %select_n3A_1267 = arith.select %eq3A_1264, %broadcast_in_dim3A_1266, %select_n3A_1251 : vector<352x1024xi1>, vector<352x1024xf32>
      %reduce_max3A_1268 = arith.constant dense<0xFF800000> : vector<1024xf32>
      %reduce_max3A_1269 = vector.multi_reduction <maximumf>, %select_n3A_1267, %reduce_max3A_1268 [0] : vector<352x1024xf32> to vector<1024xf32>
      %broadcast_in_dim3A_1270 = vector.shape_cast %reduce_max3A_1269 : vector<1024xf32> to vector<1x1024xf32>
      %eq3A_1271 = vector.broadcast %broadcast_in_dim3A_1270 : vector<1x1024xf32> to vector<352x1024xf32>
      %eq3A_1272 = arith.cmpf oeq, %select_n3A_1267, %eq3A_1271 : vector<352x1024xf32>
      %jit3A_1273 = arith.constant 1073741824 : i32
      %broadcast_in_dim3A_1274 = vector.broadcast %jit3A_1273 : i32 to vector<352x1024xi32>
      %select_n3A_1275 = arith.select %eq3A_1272, %get3A_1211, %broadcast_in_dim3A_1274 : vector<352x1024xi1>, vector<352x1024xi32>
      %reduce_min3A_1276 = arith.constant dense<2147483647> : vector<1024xi32>
      %reduce_min3A_1277 = vector.multi_reduction <minsi>, %select_n3A_1275, %reduce_min3A_1276 [0] : vector<352x1024xi32> to vector<1024xi32>
      %broadcast_in_dim3A_1278 = vector.shape_cast %reduce_min3A_1277 : vector<1024xi32> to vector<1x1024xi32>
      %eq3A_1279 = vector.broadcast %broadcast_in_dim3A_1278 : vector<1x1024xi32> to vector<352x1024xi32>
      %eq3A_1280 = arith.cmpi eq, %get3A_1211, %eq3A_1279 : vector<352x1024xi32>
      %jit3A_1281 = arith.constant -5.000000e+00 : f32
      %broadcast_in_dim3A_1282 = vector.broadcast %jit3A_1281 : f32 to vector<352x1024xf32>
      %select_n3A_1283 = arith.select %eq3A_1280, %broadcast_in_dim3A_1282, %select_n3A_1267 : vector<352x1024xi1>, vector<352x1024xf32>
      %reduce_max3A_1284 = arith.constant dense<0xFF800000> : vector<1024xf32>
      %reduce_max3A_1285 = vector.multi_reduction <maximumf>, %select_n3A_1283, %reduce_max3A_1284 [0] : vector<352x1024xf32> to vector<1024xf32>
      %broadcast_in_dim3A_1286 = vector.shape_cast %reduce_max3A_1285 : vector<1024xf32> to vector<1x1024xf32>
      %eq3A_1287 = vector.broadcast %broadcast_in_dim3A_1286 : vector<1x1024xf32> to vector<352x1024xf32>
      %eq3A_1288 = arith.cmpf oeq, %select_n3A_1283, %eq3A_1287 : vector<352x1024xf32>
      %jit3A_1289 = arith.constant 1073741824 : i32
      %broadcast_in_dim3A_1290 = vector.broadcast %jit3A_1289 : i32 to vector<352x1024xi32>
      %select_n3A_1291 = arith.select %eq3A_1288, %get3A_1211, %broadcast_in_dim3A_1290 : vector<352x1024xi1>, vector<352x1024xi32>
      %reduce_min3A_1292 = arith.constant dense<2147483647> : vector<1024xi32>
      %reduce_min3A_1293 = vector.multi_reduction <minsi>, %select_n3A_1291, %reduce_min3A_1292 [0] : vector<352x1024xi32> to vector<1024xi32>
      %broadcast_in_dim3A_1294 = vector.shape_cast %reduce_min3A_1293 : vector<1024xi32> to vector<1x1024xi32>
      %concatenate3A_1295 = tpu.concatenate %broadcast_in_dim3A_1223, %broadcast_in_dim3A_1238, %broadcast_in_dim3A_1254, %broadcast_in_dim3A_1270, %broadcast_in_dim3A_1286 in 0 : vector<1x1024xf32>, vector<1x1024xf32>, vector<1x1024xf32>, vector<1x1024xf32>, vector<1x1024xf32> -> vector<5x1024xf32>
      %transpose3A_1296 = tpu.transpose %concatenate3A_1295, [1, 0] : vector<5x1024xf32> -> vector<1024x5xf32>
      %swap3A_1297 = arith.constant 0 : index
      %swap3A_1298 = arith.constant 0 : index
      %swap3A_1299 = vector.load %arg3[%swap3A_1297, %swap3A_1298] : memref<1024x5xf32, #tpu.memory_space<vmem>>, vector<1024x5xf32>
      tpu.vector_store %arg3[%swap3A_1297, %swap3A_1298], %transpose3A_1296 {strides = array<i32>} : memref<1024x5xf32, #tpu.memory_space<vmem>>, vector<1024x5xf32>,
      %concatenate3A_1300 = tpu.concatenate %broadcast_in_dim3A_1230, %broadcast_in_dim3A_1246, %broadcast_in_dim3A_1262, %broadcast_in_dim3A_1278, %broadcast_in_dim3A_1294 in 0 : vector<1x1024xi32>, vector<1x1024xi32>, vector<1x1024xi32>, vector<1x1024xi32>, vector<1x1024xi32> -> vector<5x1024xi32>
      %transpose3A_1301 = tpu.transpose %concatenate3A_1300, [1, 0] : vector<5x1024xi32> -> vector<1024x5xi32>
      %swap3A_1302 = arith.constant 0 : index
      %swap3A_1303 = arith.constant 0 : index
      %swap3A_1304 = vector.load %arg4[%swap3A_1302, %swap3A_1303] : memref<1024x5xi32, #tpu.memory_space<vmem>>, vector<1024x5xi32>
      tpu.vector_store %arg4[%swap3A_1302, %swap3A_1303], %transpose3A_1301 {strides = array<i32>} : memref<1024x5xi32, #tpu.memory_space<vmem>>, vector<1024x5xi32>,
    } else {
    }
    return
  }
  func.func @transform_0(%arg0: i32) -> (i32, i32) {
    %c0_i32 = arith.constant 0 : i32
    %c0_i32_0 = arith.constant 0 : i32
    %c0_i32_1 = arith.constant 0 : i32
    return %c0_i32, %c0_i32_0 : i32, i32
  }
  func.func @transform_1(%arg0: i32) -> (i32, i32) {
    %c0_i32 = arith.constant 0 : i32
    %c0_i32_0 = arith.constant 0 : i32
    return %arg0, %c0_i32 : i32, i32
  }
  func.func @transform_2(%arg0: i32) -> (i32, i32) {
    %c0_i32 = arith.constant 0 : i32
    %c0_i32_0 = arith.constant 0 : i32
    %c0_i32_1 = arith.constant 0 : i32
    return %c0_i32, %c0_i32_0 : i32, i32
  }
  func.func @transform_3(%arg0: i32) -> (i32, i32) {
    %c0_i32 = arith.constant 0 : i32
    %c0_i32_0 = arith.constant 0 : i32
    %c0_i32_1 = arith.constant 0 : i32
    return %c0_i32, %c0_i32_0 : i32, i32
  }
}

</mosaic_0001>

<sc_bundles>
// kernel: kernel.4.cloned.1.call-start
scs
__scs_entry_jumppad:
0x0: {  	(pc) =	sbr.rel $0x88, $3  }
0x1: {  	(tag) =	ssettag $0x0;
	lr =	simm.s32 $0x1  }
0x2: {  	[smem:$0x3F9F] =	sst lr;
	_ =	strace $0xD0000000  }
0x3: {  	_ = 	snop  }
0x4: {  	_ = 	snop  }
0x5: {  	_ = 	snop  }
0x6: {  	_ = 	snop  }
0x7: {  	_ = 	snop  }
__scs_overlays_trampoline_lowered:
0x8: {  	[smem:$0x3FAE] =	sst s0  }
0x9: {  	[smem:$0x3FAF] =	sst s1  }
0xa: {  	[smem:$0x3FB0] =	sst s2  }
0xb: {  	[smem:$0x3FB1] =	sst s3  }
0xc: {  	[smem:$0x3FB2] =	sst s4  }
0xd: {  	[smem:$0x3FB3] =	sst s5  }
0xe: {  	[smem:$0x3FB4] =	sst s6  }
0xf: {  	[smem:$0x3FB5] =	sst s7  }
0x10: {  	[smem:$0x3FB6] =	sst s8  }
0x11: {  	[smem:$0x3FB7] =	sst s9;
	s0 =	simm.s32 @!p0 $0x0  }
0x12: {  	s1 =	sld [smem:$0x3F9D];
	s0 =	simm.s32 @p0 $0x1  }
0x13: {  	[smem:$0x3FB8] =	sst s0;
	s0 =	simm.s32 @!p1 $0x0  }
0x14: {  	s2 =	sld [smem:$0x3F9C];
	s0 =	simm.s32 @p1 $0x1  }
0x15: {  	[smem:$0x3FB9] =	sst s0;
	s0 =	simm.s32 @!p2 $0x0  }
0x16: {  	s3 =	sld [smem:$0x3FDB];
	s0 =	simm.s32 @p2 $0x1  }
0x17: {  	s4 =	simm.s32 $0x1BF5;
	[smem:$0x3FBB] =	sst s0  }
0x18: {  	s0 =	sld [smem:$0x3F9E];
	_ =	swait.ge [sflag:s4], $0x0  }
0x19: {  	s7 =	sld [smem:$0x3F9F]  }
0x1a: {  	s8 =	sadd.s32 $0xFFFFE003, lr  }
0x1b: {  	s9 =	sadd.s32 $0xFFFFFEF7, lr;
	s5 =	simm.s32 $0xFFFFFFFF;
	p2 =	slt.u32 s8, $0xFFFFF086  }
0x1c: {  	p1 =	slt.u32 s9, $0xF7A;
	s5 =	simm.s32 @!p2 $0x0  }
0x1d: {  	s5 =	simm.s32 @p1 $0x1;
	p0 =	seq.s32 s7, s2  }
0x1e: {  	s7 =	smul.u32 @!p0 $0xF7A, s2;
	p2 =	seq.s32 @!p0 s5, $0x0  }
0x1f: {  	s9 =	smul.u32 $0xF7A, s1;
	s8 =	simm.s32 @!p0 $0x1BF5;
	p2 =	por !p2, p0  }
0x20: {  	[sflag:s8] =	ssyncset.s32 @!p0 $0xFFFFF086;
	s6 =	sadd.s32 @!p0 s3, s7;
	s7 =	simm.s32 @!p0 $0x108  }
0x21: {  	s3 =	sadd.s32 s3, s9;
	s6 =	sadd.s32 @!p0 $0x88, s6;
	s7 =	simm.s32 @p2 $0x1082  }
0x22: {  	[simem:s7], [sflag:s8] =	dma.local @!p0 [hbm:s6], $0xF7A  }
0x23: {  	s9 =	sor.u32 $0xD0000000, s2;
	s6 =	simm.s32 $0x108;
	_ =	swait.ge @!p0 [sflag:s8], $0x0  }
0x24: {  	s3 =	sadd.s32 $0x88, s3;
	s6 =	simm.s32 @!p1 $0x1082;
	[sflag:s4] =	ssyncset.s32 $0xFFFFF086  }
0x25: {  	[simem:s6], [sflag:s4] =	dma.local [hbm:s3], $0xF7A  }
0x26: {  	[smem:$0x3F9F] =	sst s1;
	(tag) =	ssettag s2;
	_ =	strace s9  }
0x27: {  	s1 =	sld [smem:$0x3FAF]  }
0x28: {  	s2 =	sld [smem:$0x3FB0]  }
0x29: {  	s4 =	sld [smem:$0x3FB2]  }
0x2a: {  	p0 =	seq.s32 s5, $0x0;
	s5 =	sld [smem:$0x3FB3]  }
0x2b: {  	s6 =	sld [smem:$0x3FB4]  }
0x2c: {  	s7 =	sld [smem:$0x3FB5]  }
0x2d: {  	s3 =	simm.s32 $0x108;
	s8 =	sld [smem:$0x3FB6]  }
0x2e: {  	s3 =	simm.s32 @!p0 $0x1082;
	s9 =	sld [smem:$0x3FB7]  }
0x2f: {  	lr =	sadd.s32 s0, s3;
	s0 =	sld [smem:$0x3FAE]  }
0x30: {  	s3 =	sld [smem:$0x3FB1]  }
0x31: {  	[smem:$0x3FBA] =	sst s10  }
0x32: {  	s10 =	sld [smem:$0x3FB8];
	_ =	sdelay $0x3  }
0x33: {  	p0 =	seq.s32 s10, $0x1;
	s10 =	sld [smem:$0x3FBA];
	_ =	sdelay $0x3  }
0x34: {  	[smem:$0x3FBA] =	sst s10  }
0x35: {  	s10 =	sld [smem:$0x3FB9];
	_ =	sdelay $0x3  }
0x36: {  	p1 =	seq.s32 s10, $0x1;
	s10 =	sld [smem:$0x3FBA];
	_ =	sdelay $0x3  }
0x37: {  	[smem:$0x3FBA] =	sst s10  }
0x38: {  	s10 =	sld [smem:$0x3FBB]  }
0x39: {  	_ = 	snop;
	(pc) =	sbr.ind lr, $3  }
0x3a: {  	_ = 	snop  }
0x3b: {  	_ = 	snop  }
0x3c: {  	p2 =	seq.s32 s10, $0x1;
	s10 =	sld [smem:$0x3FBA]  }
0x3d: {  	_ =	shalt  }
0x3e: {  	_ =	shalt  }
0x3f: {  	_ =	shalt  }
0x40: {  	_ =	shalt  }
0x41: {  	_ =	shalt  }
0x42: {  	_ =	shalt  }
0x43: {  	_ =	shalt  }
0x44: {  	_ =	shalt  }
0x45: {  	_ =	shalt  }
0x46: {  	_ =	shalt  }
0x47: {  	_ =	shalt  }
0x48: {  	_ =	shalt  }
0x49: {  	_ =	shalt  }
0x4a: {  	_ =	shalt  }
0x4b: {  	_ =	shalt  }
0x4c: {  	_ =	shalt  }
0x4d: {  	_ =	shalt  }
0x4e: {  	_ =	shalt  }
0x4f: {  	_ =	shalt  }
0x50: {  	_ =	shalt  }
0x51: {  	_ =	shalt  }
0x52: {  	_ =	shalt  }
0x53: {  	_ =	shalt  }
0x54: {  	_ =	shalt  }
0x55: {  	_ =	shalt  }
0x56: {  	_ =	shalt  }
0x57: {  	_ =	shalt  }
0x58: {  	_ =	shalt  }
0x59: {  	_ =	shalt  }
0x5a: {  	_ =	shalt  }
0x5b: {  	_ =	shalt  }
0x5c: {  	_ =	shalt  }
0x5d: {  	_ =	shalt  }
0x5e: {  	_ =	shalt  }
0x5f: {  	_ =	shalt  }
0x60: {  	_ =	shalt  }
0x61: {  	_ =	shalt  }
0x62: {  	_ =	shalt  }
0x63: {  	_ =	shalt  }
0x64: {  	_ =	shalt  }
0x65: {  	_ =	shalt  }
0x66: {  	_ =	shalt  }
0x67: {  	_ =	shalt  }
0x68: {  	_ =	shalt  }
0x69: {  	_ =	shalt  }
0x6a: {  	_ =	shalt  }
0x6b: {  	_ =	shalt  }
0x6c: {  	_ =	shalt  }
0x6d: {  	_ =	shalt  }
0x6e: {  	_ =	shalt  }
0x6f: {  	_ =	shalt  }
0x70: {  	_ =	shalt  }
0x71: {  	_ =	shalt  }
0x72: {  	_ =	shalt  }
0x73: {  	_ =	shalt  }
0x74: {  	_ =	shalt  }
0x75: {  	_ =	shalt  }
0x76: {  	_ =	shalt  }
0x77: {  	_ =	shalt  }
0x78: {  	_ =	shalt  }
0x79: {  	_ =	shalt  }
0x7a: {  	_ =	shalt  }
0x7b: {  	_ =	shalt  }
0x7c: {  	_ =	shalt  }
0x7d: {  	_ =	shalt  }
0x7e: {  	_ =	shalt  }
0x7f: {  	_ =	shalt  }
0x80: {  	_ =	shalt  }
0x81: {  	_ =	shalt  }
0x82: {  	_ =	shalt  }
0x83: {  	_ =	shalt  }
0x84: {  	_ =	shalt  }
0x85: {  	_ =	shalt  }
0x86: {  	_ =	shalt  }
0x87: {  	_ =	shalt  }
.Lfunc_end0:
.L_simem_size_0:
called_computation_lowered:
.L_overlay_start_0:
0x88: {  	s2 =	sld [smem:$0x3FD9]  }
0x89: {  	s3 =	sld [smem:$0x3FFE];
	_ =	sdelay $0x1  }
0x8a: {  	s1 =	srdreg.scid  }
0x8b: {  	s0 =	sand.u32 $0x1, s1  }
0x8c: {  	s14 =	sshll.u32 s0, $0xA;
	s2 =	sadd.s32 s3, s2  }
0x8d: {  	s2 =	sadd.s32 s2, s14  }
0x8e: {  	[smem:$0x3FC6] =	sst s2  }
0x8f: {  	_ = 	snop  }
0x90: {  	s2 =	sld [smem:$0x3FD0];
	_ =	sdelay $0x2  }
0x91: {  	s4 =	simm.s32 $0xA;
	s5 =	simm.s32 $0x10;
	s15 =	sld [smem:$0x3FC8]  }
0x92: {  	[smem:s5], [sflag:s4] =	dma.local [hbm:s2], $0x1  }
0x93: {  	_ =	swait.eq [sflag:s4], $0x1  }
0x94: {  	[sflag:s4] =	ssyncset.done $0x0  }
0x95: {  	[sflag:s4] =	ssyncadd.s32 $0xFFFFFFFF  }
0x96: {  	s16 =	sld [smem:$0x12];
	(tm) =	ssettm $0x1  }
0x97: {  	s17 =	sld [smem:$0x3FFB];
	_ =	sdelay $0x3  }
0x98: {  	_ =	strace s17  }
0x99: {  	s4 =	sld [smem:$0x3FFC];
	_ =	sdelay $0x3  }
0x9a: {  	_ =	strace s4  }
0x9b: {  	s4 =	sld [smem:$0x3FFD];
	_ =	sdelay $0x3  }
0x9c: {  	_ =	strace s4  }
0x9d: {  	_ =	strace $0x8FFFFFFF  }
0x9e: {  	s18 =	sld [smem:$0x3FDB];
	_ =	sdelay $0x1  }
0x9f: {  	s19 =	simm.s32 $_scs_section_size  }
0xa0: {  	s6 =	simm.s32 $_size__tile_overlayer_lowered;
	s7 =	simm.s32 $_tile_overlayer_lowered  }
0xa1: {  	s22 =	simm.s32 $0x1BFF;
	s21 =	sshll.u32 s7, $0x1;
	s4 =	sadd.s32 s19, s18  }
0xa2: {  	s8 =	simm.s32 $0x0;
	s20 =	sshll.u32 s6, $0x1;
	s6 =	sadd.s32 s21, s4  }
0xa3: {  	[timem:s8], [sflag:s22] =	dma.local [hbm:s6], s20  }
0xa4: {  	_ =	swait.ge [sflag:s22], s20  }
0xa5: {  	s5 =	ssub.s32 $0x0, s20;
	[sflag:s22] =	ssyncset.done $0x0  }
0xa6: {  	[sflag:s22] =	ssyncadd.s32 s5;
	_ =	sdelay $0x1  }
0xa7: {  	s23 =	simm.s32 $0x1B8B  }
0xa8: {  	_ =	swait.ge [sflag:s23], $0x1  }
0xa9: {  	[sflag:s23] =	ssyncset.done $0x0  }
0xaa: {  	s25 =	simm.s32 $0x1B8E;
	s24 =	sld [smem:$0x3FFE];
	[sflag:s23] =	ssyncadd.s32 $0xFFFFFFFF  }
0xab: {  	s26 =	simm.s32 $execute0_lowered;
	[smem:$0x3FD2] =	sst s25  }
0xac: {  	s6 =	sshll.u32 s26, $0x1;
	_ =	strace $0x80000046;
	[dreg:$0x1] =	wrdreg $0xFFFFFFFF  }
0xad: {  	s28 =	simm.s32 $_size_execute0_lowered;
	s4 =	sadd.s32 s4, s6;
	[dreg:$0x0] =	wrdreg $0x0  }
0xae: {  	s6 =	sshll.u32 s28, $0x1;
	[dreg:$0x2] =	wrdreg s4  }
0xaf: {  	[dreg:$0x3] =	wrdreg s6  }
0xb0: {  	[dreg:$0x4] =	wrdreg $0xC0  }
0xb1: {  	_ =	task [dreg:s8], $0x5FFFF  }
0xb2: {  	[dreg:$0x1] =	wrdreg $0xFFFFFFFF  }
0xb3: {  	[dreg:$0x0] =	wrdreg $0x60  }
0xb4: {  	[dreg:$0x2] =	wrdreg s15  }
0xb5: {  	[dreg:$0x3] =	wrdreg s24  }
0xb6: {  	[dreg:$0x4] =	wrdreg s16  }
0xb7: {  	[dreg:$0x5] =	wrdreg $0x9  }
0xb8: {  	_ =	task.clear_ibuf [dreg:s8], $0x6FFFF;
	_ =	strace $0x90000046  }
0xb9: {  	s29 =	simm.s32 $0x9;
	_ =	strace $0x80000048  }
0xba: {  	_ =	swait.ge [sflag:s29], $0x1  }
0xbb: {  	[sflag:s29] =	ssyncadd.s32 $0xFFFFFFFF  }
0xbc: {  	_ =	strace $0x90000048  }
0xbd: {  	_ =	sfence  }
0xbe: {  	s30 =	sld [smem:$0x0];
	_ =	sdelay $0x2  }
0xbf: {  	s31 =	sshll.u32 s1, $0xD;
	s1 =	sshrl.u32 s1, $0x2  }
0xc0: {  	s3 =	sand.u32 $0x4000, s31;
	s1 =	sadd.s32 s1, s30  }
0xc1: {  	s0 =	sor.u32 s3, s0;
	s1 =	sshll.u32 s1, $0x11  }
0xc2: {  	s0 =	sor.u32 s1, s0  }
0xc3: {  	s0 =	sadd.s32 $0x8F2B, s0  }
0xc4: {  	[sflag:s0] =	ssyncadd.remote.s32 $0x1  }
0xc5: {  	_ =	sfence.sel $0xFFFF  }
0xc6: {  	[dreg:$0x0] =	wrdreg $0xFFFFFFFF;
	(pc) =	sbr.abs _section_cstart, $3  }
0xc7: {  	[dreg:$0x1] =	wrdreg $0xFFFFFFFF  }
0xc8: {  	_ =	task.clear_ibuf [dreg:s8], $0x2FFFF;
	_ =	strace $0x9FFFFFFF  }
0xc9: {  	(tm) =	ssettm $0x7FFFFFFF  }
tec
execute0_lowered:
.L_overlay_start_1:
0x0: {  	(tag) =	ssettag $0x1  }
0x1: {  	s1 =	rddreg [dreg:$0x0]  }
0x2: {  	s2 =	srdreg.scid;
	s0 =	stileid.u32  }
0x3: {  	s4 =	rddreg [dreg:$0x1];
	s9 =	sand.u32 $0x1, s2;
	s30 =	sshll.u32 s0, $0x1  }
0x4: {  	s10 =	rddreg [dreg:$0x2];
	s11 =	sor.u32 s9, s30  }
0x5: {  	s3 =	simm.s32 $0x0;
	s2 =	rddreg [dreg:$0x3];
	s5 =	smul.u32 $0x14, s11  }
0x6: {  	[smem:$0x7FF] =	sst s3  }
0x7: {  	_ =	strace $0x80000047;
	s5 =	sadd.s32 s4, s5;
	s4 =	simm.s32 $0x2  }
0x8: {  	[tilespmem:s3], [sflag:$0x2] =	stream.linear.gather [hbm4b:s5+s3], $0xA0, $0x38;
	[tilespmem:$0x5100] =	vst v63  }
0x9: {  	_ =	swait.ge [sflag:s4], $0xA0  }
0xa: {  	s6 =	simm.s32 $0x50;
	s7 =	simm.s32 $0x100;
	[sflag:s4] =	ssyncset.done $0x0  }
0xb: {  	s8 =	simm.s32 $0x1;
	s12 =	ssub.s32 $0x2, s9;
	[sflag:s4] =	ssyncadd.s32 $0xFFFFFF60  }
0xc: {  	[tilespmem:s7], [sflag:$0x1] =	stream.indirect.gather [hbm4b:s1+s6], $0x80, s3, s6, $0xb8;
	[tilespmem:$0x5100] =	vst v63  }
0xd: {  	s13 =	sshrl.u32 s12, $0x1;
	_ =	swait.ge [sflag:s8], $0x2800  }
0xe: {  	s12 =	ssub.s32 s12, s13;
	[sflag:s8] =	ssyncset.done $0x0  }
0xf: {  	s9 =	simm.s32 $0x2900;
	s31 =	smax.u32 s12, $0x1;
	[sflag:s8] =	ssyncadd.s32 $0xFFFFD800  }
0x10: {  	[tilespmem:s9], [sflag:$0x1] =	stream.indirect.gather [hbm4b:s1+s6], $0x80, s6, s6, $0xb8;
	[tilespmem:$0x5100] =	vst v63  }
0x11: {  	s11 =	smul.u32 $0xA00, s11;
	p0 =	sne.s32 s31, $0x1;
	_ =	swait.ge [sflag:s8], $0x2800  }
.Ltmp0:
0x12: {  	[sflag:s8] =	ssyncset.done $0x0;
	(pc) =	sbr.rel @!p0 .LBB2_2-.Ltmp0, $4  }
0x13: {  	s10 =	sadd.s32 s10, s11;
	[sflag:s8] =	ssyncadd.s32 $0xFFFFD800  }
0x14: {  	[hbm4b:s10+s3] =	stream.linear.scatter [tilespmem:s7], [sflag:$0x2], $0x5000, $0x38;
	[tilespmem:$0x5100] =	vst v63  }
0x15: {  	_ =	swait.ge [sflag:s4], $0x5000  }
0x16: {  	s11 =	sadd.s32 $0xFFFFFFFF, s31;
	[sflag:s4] =	ssyncset.done $0x0  }
.LBB2_1:
0x17: {  	p0 =	sne.s32 s11, $0x1;
	s11 =	sadd.s32 $0xFFFFFFFF, s11;
	[sflag:s4] =	ssyncadd.s32 $0xFFFFB000  }
0x18: {  	[tilespmem:s3], [sflag:$0x2] =	stream.linear.gather [hbm4b:s5+s3], $0xA0, $0x38;
	[tilespmem:$0x5100] =	vst v63  }
0x19: {  	_ =	swait.ge [sflag:s4], $0xA0  }
0x1a: {  	[sflag:s4] =	ssyncset.done $0x0  }
0x1b: {  	[sflag:s4] =	ssyncadd.s32 $0xFFFFFF60  }
0x1c: {  	[tilespmem:s7], [sflag:$0x1] =	stream.indirect.gather [hbm4b:s1+s6], $0x80, s3, s6, $0xb8;
	[tilespmem:$0x5100] =	vst v63  }
0x1d: {  	_ =	swait.ge [sflag:s8], $0x2800  }
0x1e: {  	[sflag:s8] =	ssyncset.done $0x0  }
0x1f: {  	[sflag:s8] =	ssyncadd.s32 $0xFFFFD800  }
0x20: {  	[tilespmem:s9], [sflag:$0x1] =	stream.indirect.gather [hbm4b:s1+s6], $0x80, s6, s6, $0xb8;
	[tilespmem:$0x5100] =	vst v63  }
0x21: {  	_ =	swait.ge [sflag:s8], $0x2800  }
.Ltmp1:
0x22: {  	[sflag:s8] =	ssyncset.done $0x0;
	(pc) =	sbr.rel @p0 .LBB2_1-.Ltmp1, $4  }
0x23: {  	[sflag:s8] =	ssyncadd.s32 $0xFFFFD800  }
0x24: {  	[hbm4b:s10+s3] =	stream.linear.scatter [tilespmem:s7], [sflag:$0x2], $0x5000, $0x38;
	[tilespmem:$0x5100] =	vst v63  }
0x25: {  	_ =	swait.ge [sflag:s4], $0x5000  }
0x26: {  	[sflag:s4] =	ssyncset.done $0x0  }
.LBB2_2:
0x27: {  	[sflag:s4] =	ssyncadd.s32 $0xFFFFB000  }
0x28: {  	_ =	sfence.sel $0x180000  }
0x29: {  	[bflag:$0x0] =	sbarrier.arrive $0xFFFF  }
0x2a: {  	p0 =	sne.s32 s0, $0x0;
	_ =	strace $0x90000047  }
0x2b: {  	s0 =	sadd.s32 @!p0 $0x100000, s2;
	[bflag:$0x2] =	sbarrier.arrive $0xFFFF  }
0x2c: {  	[sflag:s0] =	ssyncadd.tile.s32 @!p0 $0x1;
	_ =	shalt  }
.Lfunc_end2:
_tile_overlayer_lowered:
.L_overlay_start_2:
0x2d: {  	(tag) =	ssettag $0x2  }
0x2e: {  	s0 =	rddreg [dreg:$0x0];
	s2 =	stileid.u32  }
0x2f: {  	s1 =	rddreg [dreg:$0x1];
	p0 =	sne.s32 s2, $0x0  }
0x30: {  	s3 =	rddreg [dreg:$0x2];
	[bflag:$0x3] =	sbarrier.arrive $0xFFFF;
	s2 =	simm.s32 @!p0 $0x1C02  }
0x31: {  	[timem:s3], [sflag:s2] =	dma.local @!p0 [hbm:s0], s1  }
0x32: {  	s0 =	simm.s32 @!p0 $0x2  }
0x33: {  	_ =	swait.ge @!p0 [sflag:s0], s1  }
0x34: {  	s1 =	ssub.s32 @!p0 $0x0, s1;
	[sflag:s0] =	ssyncset.done @!p0 $0x0  }
0x35: {  	[sflag:s0] =	ssyncadd.s32 @!p0 s1  }
0x36: {  	[bflag:$0x3] =	sbarrier.arrive $0xFFFF  }
0x37: {  	_ =	shalt  }

</sc_bundles>
